<compile_context>
chip_gen: v7x
topology: tpu7x:2x2x1
jax: 0.10.2.dev20260603
libtpu: 0.0.44.dev20260713+nightly
codegen_flags: <defaults>
</compile_context>

<pallas_src>
import functools

import jax
import jax.numpy as jnp
from jax import lax
from jax.experimental import pallas as pl
from jax.experimental.pallas import tpu as pltpu
from jax.experimental.pallas import tpu_sc as plsc

_VOCAB = 100000
_EMBED = 25
_OUT = 32
_N = 819200

_PACK = 128 // _OUT
_VROWS = _VOCAB // _PACK
_TBLK = 1000

_W = 128
_NC = 2
_NS = 16
_NW = _NC * _NS
_BPW = _N // _NW
_K = 10
_SROWS = _K * _W
_SUPERS = _BPW // _SROWS


def _tab_body(g_ref, t_ref, o_ref):
    x = t_ref[...]
    z = x * x
    ssq = lax.dot_general(
        z, g_ref[...],
        (((1,), (0,)), ((), ())),
        preferred_element_type=jnp.float32)
    inv = lax.rsqrt(jnp.maximum(ssq, 1e-24))
    o_ref[...] = jnp.tanh(x * inv)


def _transform_table(tab_packed, gmat):
    return pl.pallas_call(
        _tab_body,
        grid=(_VROWS // _TBLK,),
        in_specs=[
            pl.BlockSpec((128, 128), lambda i: (0, 0)),
            pl.BlockSpec((_TBLK, 128), lambda i: (i, 0)),
        ],
        out_specs=pl.BlockSpec((_TBLK, 128), lambda i: (i, 0)),
        out_shape=jax.ShapeDtypeStruct((_VROWS, 128), jnp.float32),
    )(gmat, tab_packed)


def _sc_gather(tab_t, idx1d):
    mesh = plsc.VectorSubcoreMesh(core_axis_name="c", subcore_axis_name="s")

    @functools.partial(
        pl.kernel,
        out_type=jax.ShapeDtypeStruct((_N, 128), jnp.float32),
        mesh=mesh,
        compiler_params=pltpu.CompilerParams(use_tc_tiling_on_sc=False),
        scratch_types=[
            pltpu.VMEM((2, _SROWS), jnp.int32),
            pltpu.VMEM((2, _SROWS, _OUT), jnp.float32),
            pltpu.SemaphoreType.DMA,
            pltpu.SemaphoreType.DMA,
            pltpu.SemaphoreType.DMA,
            pltpu.SemaphoreType.DMA,
            pltpu.SemaphoreType.DMA,
            pltpu.SemaphoreType.DMA,
        ],
    )
    def gather_kernel(tab_hbm, idx_hbm, o_hbm, idx_v, rows_v,
                      isem0, isem1, gsem0, gsem1, wsem0, wsem1):
        isems, gsems, wsems = (isem0, isem1), (gsem0, gsem1), (wsem0, wsem1)
        wid = lax.axis_index("s") * _NC + lax.axis_index("c")
        base = wid * _BPW

        def idx_copy(b, s):
            return pltpu.make_async_copy(
                idx_hbm.at[pl.ds(base + s * _SROWS, _SROWS)],
                idx_v.at[b], isems[b])

        def out_copy(b, s):
            return pltpu.make_async_copy(
                rows_v.at[b],
                o_hbm.at[pl.ds(base + s * _SROWS, _SROWS), pl.ds(0, _OUT)],
                wsems[b])

        for b in range(2):
            idx_copy(b, b).start()

        @pl.loop(0, _SUPERS // 2)
        def _(p):
            for b in range(2):
                s = p * 2 + b
                idx_copy(b, s).wait()

                @pl.when(p >= 1)
                def _():
                    out_copy(b, s).wait()

                handles = [
                    pltpu.async_copy(
                        tab_hbm.at[idx_v.at[b, pl.ds(k * _W, _W)]],
                        rows_v.at[b, pl.ds(k * _W, _W)],
                        gsems[b])
                    for k in range(_K)
                ]
                for h in handles:
                    h.wait()

                @pl.when(p < _SUPERS // 2 - 1)
                def _():
                    idx_copy(b, s + 2).start()

                out_copy(b, s).start()

        for b in range(2):
            out_copy(b, _SUPERS - 2 + b).wait()

    return gather_kernel(tab_t, idx1d)


def kernel(indices, table):
    idx1d = indices.astype(jnp.int32)
    tab_packed = jnp.pad(table, ((0, 0), (0, _OUT - _EMBED))).reshape(_VROWS, 128)
    lane = jnp.arange(128, dtype=jnp.int32)
    gmat = (lane[:, None] // _OUT == lane[None, :] // _OUT).astype(jnp.float32)
    tab_t = _transform_table(tab_packed, gmat).reshape(_VOCAB, _OUT)
    return _sc_gather(tab_t, idx1d)[:, :_OUT]

# --- scband reference (transcript-rebuilt; emitter-appended) ---
"""Pipeline reference for scband-ast2-vector-for-python-20023137534865 (READ-ONLY COPY).

The authoritative reference and input builder live on the scoring server;
editing this copy changes nothing except your own understanding.
"""

import jax, jax.numpy as jnp
import numpy as np

VOCAB = 100000
EMBED = 25
INPUT_DIM = 25
OUTPUT_DIM = 32
N = 819200

def setup_inputs(seed: int = 0) -> dict:
    key = jax.random.key(seed)
    k1, k2 = jax.random.split(key)
    indices = jax.random.randint(k1, (N,), 0, VOCAB).astype(jnp.int64)
    table = jax.random.normal(k2, (VOCAB, EMBED), dtype=jnp.float32)
    table = table.at[0].set(0.0)  # padding_idx=0 row initialized to zeros
    return {"indices": indices, "table": table}

def reference(indices, table):
    # embedding lookup (string->index mapping abstracted as precomputed int indices)
    emb = jnp.take(table, indices, axis=0)
    # F.normalize: L2 normalize along dim=1, eps=1e-12
    norm = jnp.linalg.norm(emb, axis=1, keepdims=True)
    emb = emb / jnp.maximum(norm, 1e-12)
    # F.tanh
    emb = jnp.tanh(emb)
    # input_dim != output_dim: concat zero_vector repeated over batch
    pad = jnp.zeros((emb.shape[0], OUTPUT_DIM - INPUT_DIM), dtype=emb.dtype)
    out = jnp.concatenate([emb, pad], axis=1)
    return out

if __name__ == "__main__":
    import jax
    _d = setup_inputs()
    print(jax.jit(kernel)(*tuple(_d.values())))

</pallas_src>

<mosaic_0001>
#map = affine_map<(d0, d1) -> (0, 0)>
#map1 = affine_map<(d0, d1) -> (0)>
module attributes {stable_mosaic.version = 14 : i64} {
  func.func @gather_kernel(%arg0: i32, %arg1: i32, %arg2: memref<100000x32xf32, #tpu.memory_space<hbm>>, %arg3: memref<819200xi32, #tpu.memory_space<hbm>>, %arg4: memref<819200x128xf32, #tpu.memory_space<hbm>>, %arg5: memref<2x1280xi32, #tpu.memory_space<vmem>>, %arg6: memref<2x1280x32xf32, #tpu.memory_space<vmem>>, %arg7: memref<!tpu.dma_semaphore, #tpu.memory_space<semaphore_mem>>, %arg8: memref<!tpu.dma_semaphore, #tpu.memory_space<semaphore_mem>>, %arg9: memref<!tpu.dma_semaphore, #tpu.memory_space<semaphore_mem>>, %arg10: memref<!tpu.dma_semaphore, #tpu.memory_space<semaphore_mem>>, %arg11: memref<!tpu.dma_semaphore, #tpu.memory_space<semaphore_mem>>, %arg12: memref<!tpu.dma_semaphore, #tpu.memory_space<semaphore_mem>>) attributes {dimension_semantics = [#tpu.dimension_semantics<core_parallel>, #tpu.dimension_semantics<subcore_parallel>], iteration_bounds = array<i64: 2, 16>, scalar_prefetch = 0 : i64, scratch_operands = 8 : i64, tpu.core_type = #tpu.core_type<sc_vector_subcore>, window_params = [{transform_indices = #map}, {transform_indices = #map1}, {transform_indices = #map}]} {
    %mul3A = arith.constant 2 : i32
    %mul3A_0 = arith.muli %arg1, %mul3A : i32
    %add3A = arith.addi %mul3A_0, %arg0 : i32
    %mul3A_1 = arith.constant 25600 : i32
    %mul3A_2 = arith.muli %add3A, %mul3A_1 : i32
    %add3A_3 = arith.constant 0 : i32
    %add3A_4 = arith.addi %mul3A_2, %add3A_3 : i32
    %dma_start3A = arith.constant 0 : i32
    %dma_start3A_5 = arith.constant 0 : i32
    %dma_start3A_6 = tpu.memref_slice %arg5[%dma_start3A, %dma_start3A_5] : memref<2x1280xi32, #tpu.memory_space<vmem>> -> memref<1x1280xi32, #tpu.memory_space<vmem>>
    %dma_start3A_7 = tpu.memref_squeeze %dma_start3A_6 : memref<1x1280xi32, #tpu.memory_space<vmem>> -> memref<1280xi32, #tpu.memory_space<vmem>>
    %dma_start3A_8 = tpu.memref_slice %arg3[%add3A_4] : memref<819200xi32, #tpu.memory_space<hbm>> -> memref<1280xi32, #tpu.memory_space<hbm>>
    %dma_start3A_9 = arith.constant 0 : i32
    %dma_start3A_10 = tpu.memref_slice %arg5[%dma_start3A, %dma_start3A_9] : memref<2x1280xi32, #tpu.memory_space<vmem>> -> memref<1x1280xi32, #tpu.memory_space<vmem>>
    %dma_start3A_11 = tpu.memref_squeeze %dma_start3A_10 : memref<1x1280xi32, #tpu.memory_space<vmem>> -> memref<1280xi32, #tpu.memory_space<vmem>>
    %dma_start3A_12 = tpu.memref_slice %arg3[%add3A_4] : memref<819200xi32, #tpu.memory_space<hbm>> -> memref<1280xi32, #tpu.memory_space<hbm>>
    tpu.enqueue_dma source(%dma_start3A_12 : memref<1280xi32, #tpu.memory_space<hbm>>) target(%dma_start3A_11 : memref<1280xi32, #tpu.memory_space<vmem>>) target_semaphore(%arg7 : memref<!tpu.dma_semaphore, #tpu.memory_space<semaphore_mem>>)
    %add3A_13 = arith.constant 1280 : i32
    %add3A_14 = arith.addi %mul3A_2, %add3A_13 : i32
    %dma_start3A_15 = arith.constant 1 : i32
    %dma_start3A_16 = arith.constant 0 : i32
    %dma_start3A_17 = tpu.memref_slice %arg5[%dma_start3A_15, %dma_start3A_16] : memref<2x1280xi32, #tpu.memory_space<vmem>> -> memref<1x1280xi32, #tpu.memory_space<vmem>>
    %dma_start3A_18 = tpu.memref_squeeze %dma_start3A_17 : memref<1x1280xi32, #tpu.memory_space<vmem>> -> memref<1280xi32, #tpu.memory_space<vmem>>
    %dma_start3A_19 = tpu.memref_slice %arg3[%add3A_14] : memref<819200xi32, #tpu.memory_space<hbm>> -> memref<1280xi32, #tpu.memory_space<hbm>>
    %dma_start3A_20 = arith.constant 0 : i32
    %dma_start3A_21 = tpu.memref_slice %arg5[%dma_start3A_15, %dma_start3A_20] : memref<2x1280xi32, #tpu.memory_space<vmem>> -> memref<1x1280xi32, #tpu.memory_space<vmem>>
    %dma_start3A_22 = tpu.memref_squeeze %dma_start3A_21 : memref<1x1280xi32, #tpu.memory_space<vmem>> -> memref<1280xi32, #tpu.memory_space<vmem>>
    %dma_start3A_23 = tpu.memref_slice %arg3[%add3A_14] : memref<819200xi32, #tpu.memory_space<hbm>> -> memref<1280xi32, #tpu.memory_space<hbm>>
    tpu.enqueue_dma source(%dma_start3A_23 : memref<1280xi32, #tpu.memory_space<hbm>>) target(%dma_start3A_22 : memref<1280xi32, #tpu.memory_space<vmem>>) target_semaphore(%arg8 : memref<!tpu.dma_semaphore, #tpu.memory_space<semaphore_mem>>)
    %scan3A = arith.constant 0 : i32
    %scan3A_24 = arith.constant 10 : i32
    %scan3A_25 = arith.addi %scan3A, %scan3A_24 : i32
    %scan3A_26 = arith.constant 1 : i32
    scf.for %scan3A_57 = %scan3A to %scan3A_25 step %scan3A_26  : i32 {
      %mul3A_58 = arith.constant 1 : i32
      %mul3A_59 = arith.muli %scan3A_57, %mul3A_58 : i32
      %add3A_60 = arith.constant 0 : i32
      %add3A_61 = arith.addi %add3A_60, %mul3A_59 : i32
      %mul3A_62 = arith.constant 2 : i32
      %mul3A_63 = arith.muli %add3A_61, %mul3A_62 : i32
      %add3A_64 = arith.constant 0 : i32
      %add3A_65 = arith.addi %mul3A_63, %add3A_64 : i32
      %mul3A_66 = arith.constant 1280 : i32
      %mul3A_67 = arith.muli %add3A_65, %mul3A_66 : i32
      %add3A_68 = arith.addi %mul3A_2, %mul3A_67 : i32
      %dma_wait3A_69 = arith.constant 0 : i32
      %dma_wait3A_70 = arith.constant 0 : i32
      %dma_wait3A_71 = tpu.memref_slice %arg5[%dma_wait3A_69, %dma_wait3A_70] : memref<2x1280xi32, #tpu.memory_space<vmem>> -> memref<1x1280xi32, #tpu.memory_space<vmem>>
      %dma_wait3A_72 = tpu.memref_squeeze %dma_wait3A_71 : memref<1x1280xi32, #tpu.memory_space<vmem>> -> memref<1280xi32, #tpu.memory_space<vmem>>
      %dma_wait3A_73 = tpu.memref_slice %arg3[%add3A_68] : memref<819200xi32, #tpu.memory_space<hbm>> -> memref<1280xi32, #tpu.memory_space<hbm>>
      %dma_wait3A_74 = arith.constant 0 : i32
      %dma_wait3A_75 = tpu.memref_slice %arg5[%dma_wait3A_69, %dma_wait3A_74] : memref<2x1280xi32, #tpu.memory_space<vmem>> -> memref<1x1280xi32, #tpu.memory_space<vmem>>
      %dma_wait3A_76 = tpu.memref_squeeze %dma_wait3A_75 : memref<1x1280xi32, #tpu.memory_space<vmem>> -> memref<1280xi32, #tpu.memory_space<vmem>>
      %dma_wait3A_77 = tpu.memref_slice %arg3[%add3A_68] : memref<819200xi32, #tpu.memory_space<hbm>> -> memref<1280xi32, #tpu.memory_space<hbm>>
      tpu.wait_dma2 semaphore(%arg7 : memref<!tpu.dma_semaphore, #tpu.memory_space<semaphore_mem>>) src(%dma_wait3A_77 : memref<1280xi32, #tpu.memory_space<hbm>>) dst(%dma_wait3A_76 : memref<1280xi32, #tpu.memory_space<vmem>>)
      %ge3A = arith.constant 1 : i32
      %ge3A_78 = arith.cmpi sge, %add3A_61, %ge3A : i32
      %convert_element_type3A = arith.extui %ge3A_78 : i1 to i32
      %cond3A = arith.constant 0 : i32
      %cond3A_79 = arith.cmpi ne, %convert_element_type3A, %cond3A : i32
      scf.if %cond3A_79 {
        %mul3A_622 = arith.constant 1280 : i32
        %mul3A_623 = arith.muli %add3A_65, %mul3A_622 : i32
        %add3A_624 = arith.addi %mul3A_2, %mul3A_623 : i32
        %dma_wait3A_625 = arith.constant 0 : i32
        %dma_wait3A_626 = arith.constant 0 : i32
        %dma_wait3A_627 = arith.constant 0 : i32
        %dma_wait3A_628 = tpu.memref_slice %arg6[%dma_wait3A_625, %dma_wait3A_626, %dma_wait3A_627] : memref<2x1280x32xf32, #tpu.memory_space<vmem>> -> memref<1x1280x32xf32, #tpu.memory_space<vmem>>
        %dma_wait3A_629 = tpu.memref_squeeze %dma_wait3A_628 : memref<1x1280x32xf32, #tpu.memory_space<vmem>> -> memref<1280x32xf32, #tpu.memory_space<vmem>>
        %dma_wait3A_630 = arith.constant 0 : i32
        %dma_wait3A_631 = tpu.memref_slice %arg4[%add3A_624, %dma_wait3A_630] : memref<819200x128xf32, #tpu.memory_space<hbm>> -> memref<1280x32xf32, #tpu.memory_space<hbm>>
        %dma_wait3A_632 = arith.constant 0 : i32
        %dma_wait3A_633 = tpu.memref_slice %arg4[%add3A_624, %dma_wait3A_632] : memref<819200x128xf32, #tpu.memory_space<hbm>> -> memref<1280x32xf32, #tpu.memory_space<hbm>>
        %dma_wait3A_634 = arith.constant 0 : i32
        %dma_wait3A_635 = arith.constant 0 : i32
        %dma_wait3A_636 = tpu.memref_slice %arg6[%dma_wait3A_625, %dma_wait3A_634, %dma_wait3A_635] : memref<2x1280x32xf32, #tpu.memory_space<vmem>> -> memref<1x1280x32xf32, #tpu.memory_space<vmem>>
        %dma_wait3A_637 = tpu.memref_squeeze %dma_wait3A_636 : memref<1x1280x32xf32, #tpu.memory_space<vmem>> -> memref<1280x32xf32, #tpu.memory_space<vmem>>
        tpu.wait_dma2 semaphore(%arg11 : memref<!tpu.dma_semaphore, #tpu.memory_space<semaphore_mem>>) src(%dma_wait3A_637 : memref<1280x32xf32, #tpu.memory_space<vmem>>) dst(%dma_wait3A_633 : memref<1280x32xf32, #tpu.memory_space<hbm>>)
      } else {
      }
      %dma_start3A_80 = arith.constant 0 : i32
      %dma_start3A_81 = arith.constant 0 : i32
      %dma_start3A_82 = arith.constant 0 : i32
      %dma_start3A_83 = arith.constant 0 : i32
      %dma_start3A_84 = tpu.memref_slice %arg6[%dma_start3A_81, %dma_start3A_82, %dma_start3A_83] : memref<2x1280x32xf32, #tpu.memory_space<vmem>> -> memref<1x128x32xf32, #tpu.memory_space<vmem>>
      %dma_start3A_85 = tpu.memref_squeeze %dma_start3A_84 : memref<1x128x32xf32, #tpu.memory_space<vmem>> -> memref<128x32xf32, #tpu.memory_space<vmem>>
      %dma_start3A_86 = arith.constant 0 : i32
      %dma_start3A_87 = tpu.memref_slice %arg5[%dma_start3A_80, %dma_start3A_86] : memref<2x1280xi32, #tpu.memory_space<vmem>> -> memref<1x128xi32, #tpu.memory_space<vmem>>
      %dma_start3A_88 = tpu.memref_squeeze %dma_start3A_87 : memref<1x128xi32, #tpu.memory_space<vmem>> -> memref<128xi32, #tpu.memory_space<vmem>>
      %dma_start3A_89 = arith.constant 0 : i32
      %dma_start3A_90 = arith.constant 0 : i32
      %dma_start3A_91 = tpu.memref_slice %arg2[%dma_start3A_89, %dma_start3A_90] : memref<100000x32xf32, #tpu.memory_space<hbm>> -> memref<100000x32xf32, #tpu.memory_space<hbm>>
      tpu.enqueue_indirect_dma source(%dma_start3A_91 : memref<100000x32xf32, #tpu.memory_space<hbm>>) target(%dma_start3A_85 : memref<128x32xf32, #tpu.memory_space<vmem>>) offsets(%dma_start3A_88 : memref<128xi32, #tpu.memory_space<vmem>>) semaphore(%arg9 : memref<!tpu.dma_semaphore, #tpu.memory_space<semaphore_mem>>)
      %dma_start3A_92 = arith.constant 0 : i32
      %dma_start3A_93 = arith.constant 0 : i32
      %dma_start3A_94 = arith.constant 128 : i32
      %dma_start3A_95 = arith.constant 0 : i32
      %dma_start3A_96 = tpu.memref_slice %arg6[%dma_start3A_93, %dma_start3A_94, %dma_start3A_95] : memref<2x1280x32xf32, #tpu.memory_space<vmem>> -> memref<1x128x32xf32, #tpu.memory_space<vmem>>
      %dma_start3A_97 = tpu.memref_squeeze %dma_start3A_96 : memref<1x128x32xf32, #tpu.memory_space<vmem>> -> memref<128x32xf32, #tpu.memory_space<vmem>>
      %dma_start3A_98 = arith.constant 128 : i32
      %dma_start3A_99 = tpu.memref_slice %arg5[%dma_start3A_92, %dma_start3A_98] : memref<2x1280xi32, #tpu.memory_space<vmem>> -> memref<1x128xi32, #tpu.memory_space<vmem>>
      %dma_start3A_100 = tpu.memref_squeeze %dma_start3A_99 : memref<1x128xi32, #tpu.memory_space<vmem>> -> memref<128xi32, #tpu.memory_space<vmem>>
      %dma_start3A_101 = arith.constant 0 : i32
      %dma_start3A_102 = arith.constant 0 : i32
      %dma_start3A_103 = tpu.memref_slice %arg2[%dma_start3A_101, %dma_start3A_102] : memref<100000x32xf32, #tpu.memory_space<hbm>> -> memref<100000x32xf32, #tpu.memory_space<hbm>>
      tpu.enqueue_indirect_dma source(%dma_start3A_103 : memref<100000x32xf32, #tpu.memory_space<hbm>>) target(%dma_start3A_97 : memref<128x32xf32, #tpu.memory_space<vmem>>) offsets(%dma_start3A_100 : memref<128xi32, #tpu.memory_space<vmem>>) semaphore(%arg9 : memref<!tpu.dma_semaphore, #tpu.memory_space<semaphore_mem>>)
      %dma_start3A_104 = arith.constant 0 : i32
      %dma_start3A_105 = arith.constant 0 : i32
      %dma_start3A_106 = arith.constant 256 : i32
      %dma_start3A_107 = arith.constant 0 : i32
      %dma_start3A_108 = tpu.memref_slice %arg6[%dma_start3A_105, %dma_start3A_106, %dma_start3A_107] : memref<2x1280x32xf32, #tpu.memory_space<vmem>> -> memref<1x128x32xf32, #tpu.memory_space<vmem>>
      %dma_start3A_109 = tpu.memref_squeeze %dma_start3A_108 : memref<1x128x32xf32, #tpu.memory_space<vmem>> -> memref<128x32xf32, #tpu.memory_space<vmem>>
      %dma_start3A_110 = arith.constant 256 : i32
      %dma_start3A_111 = tpu.memref_slice %arg5[%dma_start3A_104, %dma_start3A_110] : memref<2x1280xi32, #tpu.memory_space<vmem>> -> memref<1x128xi32, #tpu.memory_space<vmem>>
      %dma_start3A_112 = tpu.memref_squeeze %dma_start3A_111 : memref<1x128xi32, #tpu.memory_space<vmem>> -> memref<128xi32, #tpu.memory_space<vmem>>
      %dma_start3A_113 = arith.constant 0 : i32
      %dma_start3A_114 = arith.constant 0 : i32
      %dma_start3A_115 = tpu.memref_slice %arg2[%dma_start3A_113, %dma_start3A_114] : memref<100000x32xf32, #tpu.memory_space<hbm>> -> memref<100000x32xf32, #tpu.memory_space<hbm>>
      tpu.enqueue_indirect_dma source(%dma_start3A_115 : memref<100000x32xf32, #tpu.memory_space<hbm>>) target(%dma_start3A_109 : memref<128x32xf32, #tpu.memory_space<vmem>>) offsets(%dma_start3A_112 : memref<128xi32, #tpu.memory_space<vmem>>) semaphore(%arg9 : memref<!tpu.dma_semaphore, #tpu.memory_space<semaphore_mem>>)
      %dma_start3A_116 = arith.constant 0 : i32
      %dma_start3A_117 = arith.constant 0 : i32
      %dma_start3A_118 = arith.constant 384 : i32
      %dma_start3A_119 = arith.constant 0 : i32
      %dma_start3A_120 = tpu.memref_slice %arg6[%dma_start3A_117, %dma_start3A_118, %dma_start3A_119] : memref<2x1280x32xf32, #tpu.memory_space<vmem>> -> memref<1x128x32xf32, #tpu.memory_space<vmem>>
      %dma_start3A_121 = tpu.memref_squeeze %dma_start3A_120 : memref<1x128x32xf32, #tpu.memory_space<vmem>> -> memref<128x32xf32, #tpu.memory_space<vmem>>
      %dma_start3A_122 = arith.constant 384 : i32
      %dma_start3A_123 = tpu.memref_slice %arg5[%dma_start3A_116, %dma_start3A_122] : memref<2x1280xi32, #tpu.memory_space<vmem>> -> memref<1x128xi32, #tpu.memory_space<vmem>>
      %dma_start3A_124 = tpu.memref_squeeze %dma_start3A_123 : memref<1x128xi32, #tpu.memory_space<vmem>> -> memref<128xi32, #tpu.memory_space<vmem>>
      %dma_start3A_125 = arith.constant 0 : i32
      %dma_start3A_126 = arith.constant 0 : i32
      %dma_start3A_127 = tpu.memref_slice %arg2[%dma_start3A_125, %dma_start3A_126] : memref<100000x32xf32, #tpu.memory_space<hbm>> -> memref<100000x32xf32, #tpu.memory_space<hbm>>
      tpu.enqueue_indirect_dma source(%dma_start3A_127 : memref<100000x32xf32, #tpu.memory_space<hbm>>) target(%dma_start3A_121 : memref<128x32xf32, #tpu.memory_space<vmem>>) offsets(%dma_start3A_124 : memref<128xi32, #tpu.memory_space<vmem>>) semaphore(%arg9 : memref<!tpu.dma_semaphore, #tpu.memory_space<semaphore_mem>>)
      %dma_start3A_128 = arith.constant 0 : i32
      %dma_start3A_129 = arith.constant 0 : i32
      %dma_start3A_130 = arith.constant 512 : i32
      %dma_start3A_131 = arith.constant 0 : i32
      %dma_start3A_132 = tpu.memref_slice %arg6[%dma_start3A_129, %dma_start3A_130, %dma_start3A_131] : memref<2x1280x32xf32, #tpu.memory_space<vmem>> -> memref<1x128x32xf32, #tpu.memory_space<vmem>>
      %dma_start3A_133 = tpu.memref_squeeze %dma_start3A_132 : memref<1x128x32xf32, #tpu.memory_space<vmem>> -> memref<128x32xf32, #tpu.memory_space<vmem>>
      %dma_start3A_134 = arith.constant 512 : i32
      %dma_start3A_135 = tpu.memref_slice %arg5[%dma_start3A_128, %dma_start3A_134] : memref<2x1280xi32, #tpu.memory_space<vmem>> -> memref<1x128xi32, #tpu.memory_space<vmem>>
      %dma_start3A_136 = tpu.memref_squeeze %dma_start3A_135 : memref<1x128xi32, #tpu.memory_space<vmem>> -> memref<128xi32, #tpu.memory_space<vmem>>
      %dma_start3A_137 = arith.constant 0 : i32
      %dma_start3A_138 = arith.constant 0 : i32
      %dma_start3A_139 = tpu.memref_slice %arg2[%dma_start3A_137, %dma_start3A_138] : memref<100000x32xf32, #tpu.memory_space<hbm>> -> memref<100000x32xf32, #tpu.memory_space<hbm>>
      tpu.enqueue_indirect_dma source(%dma_start3A_139 : memref<100000x32xf32, #tpu.memory_space<hbm>>) target(%dma_start3A_133 : memref<128x32xf32, #tpu.memory_space<vmem>>) offsets(%dma_start3A_136 : memref<128xi32, #tpu.memory_space<vmem>>) semaphore(%arg9 : memref<!tpu.dma_semaphore, #tpu.memory_space<semaphore_mem>>)
      %dma_start3A_140 = arith.constant 0 : i32
      %dma_start3A_141 = arith.constant 0 : i32
      %dma_start3A_142 = arith.constant 640 : i32
      %dma_start3A_143 = arith.constant 0 : i32
      %dma_start3A_144 = tpu.memref_slice %arg6[%dma_start3A_141, %dma_start3A_142, %dma_start3A_143] : memref<2x1280x32xf32, #tpu.memory_space<vmem>> -> memref<1x128x32xf32, #tpu.memory_space<vmem>>
      %dma_start3A_145 = tpu.memref_squeeze %dma_start3A_144 : memref<1x128x32xf32, #tpu.memory_space<vmem>> -> memref<128x32xf32, #tpu.memory_space<vmem>>
      %dma_start3A_146 = arith.constant 640 : i32
      %dma_start3A_147 = tpu.memref_slice %arg5[%dma_start3A_140, %dma_start3A_146] : memref<2x1280xi32, #tpu.memory_space<vmem>> -> memref<1x128xi32, #tpu.memory_space<vmem>>
      %dma_start3A_148 = tpu.memref_squeeze %dma_start3A_147 : memref<1x128xi32, #tpu.memory_space<vmem>> -> memref<128xi32, #tpu.memory_space<vmem>>
      %dma_start3A_149 = arith.constant 0 : i32
      %dma_start3A_150 = arith.constant 0 : i32
      %dma_start3A_151 = tpu.memref_slice %arg2[%dma_start3A_149, %dma_start3A_150] : memref<100000x32xf32, #tpu.memory_space<hbm>> -> memref<100000x32xf32, #tpu.memory_space<hbm>>
      tpu.enqueue_indirect_dma source(%dma_start3A_151 : memref<100000x32xf32, #tpu.memory_space<hbm>>) target(%dma_start3A_145 : memref<128x32xf32, #tpu.memory_space<vmem>>) offsets(%dma_start3A_148 : memref<128xi32, #tpu.memory_space<vmem>>) semaphore(%arg9 : memref<!tpu.dma_semaphore, #tpu.memory_space<semaphore_mem>>)
      %dma_start3A_152 = arith.constant 0 : i32
      %dma_start3A_153 = arith.constant 0 : i32
      %dma_start3A_154 = arith.constant 768 : i32
      %dma_start3A_155 = arith.constant 0 : i32
      %dma_start3A_156 = tpu.memref_slice %arg6[%dma_start3A_153, %dma_start3A_154, %dma_start3A_155] : memref<2x1280x32xf32, #tpu.memory_space<vmem>> -> memref<1x128x32xf32, #tpu.memory_space<vmem>>
      %dma_start3A_157 = tpu.memref_squeeze %dma_start3A_156 : memref<1x128x32xf32, #tpu.memory_space<vmem>> -> memref<128x32xf32, #tpu.memory_space<vmem>>
      %dma_start3A_158 = arith.constant 768 : i32
      %dma_start3A_159 = tpu.memref_slice %arg5[%dma_start3A_152, %dma_start3A_158] : memref<2x1280xi32, #tpu.memory_space<vmem>> -> memref<1x128xi32, #tpu.memory_space<vmem>>
      %dma_start3A_160 = tpu.memref_squeeze %dma_start3A_159 : memref<1x128xi32, #tpu.memory_space<vmem>> -> memref<128xi32, #tpu.memory_space<vmem>>
      %dma_start3A_161 = arith.constant 0 : i32
      %dma_start3A_162 = arith.constant 0 : i32
      %dma_start3A_163 = tpu.memref_slice %arg2[%dma_start3A_161, %dma_start3A_162] : memref<100000x32xf32, #tpu.memory_space<hbm>> -> memref<100000x32xf32, #tpu.memory_space<hbm>>
      tpu.enqueue_indirect_dma source(%dma_start3A_163 : memref<100000x32xf32, #tpu.memory_space<hbm>>) target(%dma_start3A_157 : memref<128x32xf32, #tpu.memory_space<vmem>>) offsets(%dma_start3A_160 : memref<128xi32, #tpu.memory_space<vmem>>) semaphore(%arg9 : memref<!tpu.dma_semaphore, #tpu.memory_space<semaphore_mem>>)
      %dma_start3A_164 = arith.constant 0 : i32
      %dma_start3A_165 = arith.constant 0 : i32
      %dma_start3A_166 = arith.constant 896 : i32
      %dma_start3A_167 = arith.constant 0 : i32
      %dma_start3A_168 = tpu.memref_slice %arg6[%dma_start3A_165, %dma_start3A_166, %dma_start3A_167] : memref<2x1280x32xf32, #tpu.memory_space<vmem>> -> memref<1x128x32xf32, #tpu.memory_space<vmem>>
      %dma_start3A_169 = tpu.memref_squeeze %dma_start3A_168 : memref<1x128x32xf32, #tpu.memory_space<vmem>> -> memref<128x32xf32, #tpu.memory_space<vmem>>
      %dma_start3A_170 = arith.constant 896 : i32
      %dma_start3A_171 = tpu.memref_slice %arg5[%dma_start3A_164, %dma_start3A_170] : memref<2x1280xi32, #tpu.memory_space<vmem>> -> memref<1x128xi32, #tpu.memory_space<vmem>>
      %dma_start3A_172 = tpu.memref_squeeze %dma_start3A_171 : memref<1x128xi32, #tpu.memory_space<vmem>> -> memref<128xi32, #tpu.memory_space<vmem>>
      %dma_start3A_173 = arith.constant 0 : i32
      %dma_start3A_174 = arith.constant 0 : i32
      %dma_start3A_175 = tpu.memref_slice %arg2[%dma_start3A_173, %dma_start3A_174] : memref<100000x32xf32, #tpu.memory_space<hbm>> -> memref<100000x32xf32, #tpu.memory_space<hbm>>
      tpu.enqueue_indirect_dma source(%dma_start3A_175 : memref<100000x32xf32, #tpu.memory_space<hbm>>) target(%dma_start3A_169 : memref<128x32xf32, #tpu.memory_space<vmem>>) offsets(%dma_start3A_172 : memref<128xi32, #tpu.memory_space<vmem>>) semaphore(%arg9 : memref<!tpu.dma_semaphore, #tpu.memory_space<semaphore_mem>>)
      %dma_start3A_176 = arith.constant 0 : i32
      %dma_start3A_177 = arith.constant 0 : i32
      %dma_start3A_178 = arith.constant 1024 : i32
      %dma_start3A_179 = arith.constant 0 : i32
      %dma_start3A_180 = tpu.memref_slice %arg6[%dma_start3A_177, %dma_start3A_178, %dma_start3A_179] : memref<2x1280x32xf32, #tpu.memory_space<vmem>> -> memref<1x128x32xf32, #tpu.memory_space<vmem>>
      %dma_start3A_181 = tpu.memref_squeeze %dma_start3A_180 : memref<1x128x32xf32, #tpu.memory_space<vmem>> -> memref<128x32xf32, #tpu.memory_space<vmem>>
      %dma_start3A_182 = arith.constant 1024 : i32
      %dma_start3A_183 = tpu.memref_slice %arg5[%dma_start3A_176, %dma_start3A_182] : memref<2x1280xi32, #tpu.memory_space<vmem>> -> memref<1x128xi32, #tpu.memory_space<vmem>>
      %dma_start3A_184 = tpu.memref_squeeze %dma_start3A_183 : memref<1x128xi32, #tpu.memory_space<vmem>> -> memref<128xi32, #tpu.memory_space<vmem>>
      %dma_start3A_185 = arith.constant 0 : i32
      %dma_start3A_186 = arith.constant 0 : i32
      %dma_start3A_187 = tpu.memref_slice %arg2[%dma_start3A_185, %dma_start3A_186] : memref<100000x32xf32, #tpu.memory_space<hbm>> -> memref<100000x32xf32, #tpu.memory_space<hbm>>
      tpu.enqueue_indirect_dma source(%dma_start3A_187 : memref<100000x32xf32, #tpu.memory_space<hbm>>) target(%dma_start3A_181 : memref<128x32xf32, #tpu.memory_space<vmem>>) offsets(%dma_start3A_184 : memref<128xi32, #tpu.memory_space<vmem>>) semaphore(%arg9 : memref<!tpu.dma_semaphore, #tpu.memory_space<semaphore_mem>>)
      %dma_start3A_188 = arith.constant 0 : i32
      %dma_start3A_189 = arith.constant 0 : i32
      %dma_start3A_190 = arith.constant 1152 : i32
      %dma_start3A_191 = arith.constant 0 : i32
      %dma_start3A_192 = tpu.memref_slice %arg6[%dma_start3A_189, %dma_start3A_190, %dma_start3A_191] : memref<2x1280x32xf32, #tpu.memory_space<vmem>> -> memref<1x128x32xf32, #tpu.memory_space<vmem>>
      %dma_start3A_193 = tpu.memref_squeeze %dma_start3A_192 : memref<1x128x32xf32, #tpu.memory_space<vmem>> -> memref<128x32xf32, #tpu.memory_space<vmem>>
      %dma_start3A_194 = arith.constant 1152 : i32
      %dma_start3A_195 = tpu.memref_slice %arg5[%dma_start3A_188, %dma_start3A_194] : memref<2x1280xi32, #tpu.memory_space<vmem>> -> memref<1x128xi32, #tpu.memory_space<vmem>>
      %dma_start3A_196 = tpu.memref_squeeze %dma_start3A_195 : memref<1x128xi32, #tpu.memory_space<vmem>> -> memref<128xi32, #tpu.memory_space<vmem>>
      %dma_start3A_197 = arith.constant 0 : i32
      %dma_start3A_198 = arith.constant 0 : i32
      %dma_start3A_199 = tpu.memref_slice %arg2[%dma_start3A_197, %dma_start3A_198] : memref<100000x32xf32, #tpu.memory_space<hbm>> -> memref<100000x32xf32, #tpu.memory_space<hbm>>
      tpu.enqueue_indirect_dma source(%dma_start3A_199 : memref<100000x32xf32, #tpu.memory_space<hbm>>) target(%dma_start3A_193 : memref<128x32xf32, #tpu.memory_space<vmem>>) offsets(%dma_start3A_196 : memref<128xi32, #tpu.memory_space<vmem>>) semaphore(%arg9 : memref<!tpu.dma_semaphore, #tpu.memory_space<semaphore_mem>>)
      %dma_wait3A_200 = arith.constant 0 : i32
      %dma_wait3A_201 = arith.constant 0 : i32
      %dma_wait3A_202 = arith.constant 0 : i32
      %dma_wait3A_203 = arith.constant 0 : i32
      %dma_wait3A_204 = tpu.memref_slice %arg6[%dma_wait3A_201, %dma_wait3A_202, %dma_wait3A_203] : memref<2x1280x32xf32, #tpu.memory_space<vmem>> -> memref<1x128x32xf32, #tpu.memory_space<vmem>>
      %dma_wait3A_205 = tpu.memref_squeeze %dma_wait3A_204 : memref<1x128x32xf32, #tpu.memory_space<vmem>> -> memref<128x32xf32, #tpu.memory_space<vmem>>
      %dma_wait3A_206 = arith.constant 0 : i32
      %dma_wait3A_207 = tpu.memref_slice %arg5[%dma_wait3A_200, %dma_wait3A_206] : memref<2x1280xi32, #tpu.memory_space<vmem>> -> memref<1x128xi32, #tpu.memory_space<vmem>>
      %dma_wait3A_208 = tpu.memref_squeeze %dma_wait3A_207 : memref<1x128xi32, #tpu.memory_space<vmem>> -> memref<128xi32, #tpu.memory_space<vmem>>
      %dma_wait3A_209 = arith.constant 0 : i32
      %dma_wait3A_210 = arith.constant 0 : i32
      %dma_wait3A_211 = tpu.memref_slice %arg2[%dma_wait3A_209, %dma_wait3A_210] : memref<100000x32xf32, #tpu.memory_space<hbm>> -> memref<100000x32xf32, #tpu.memory_space<hbm>>
      tpu.wait_indirect_dma semaphore(%arg9 : memref<!tpu.dma_semaphore, #tpu.memory_space<semaphore_mem>>) src(%dma_wait3A_211 : memref<100000x32xf32, #tpu.memory_space<hbm>>) dst(%dma_wait3A_205 : memref<128x32xf32, #tpu.memory_space<vmem>>)
      %dma_wait3A_212 = arith.constant 0 : i32
      %dma_wait3A_213 = arith.constant 0 : i32
      %dma_wait3A_214 = arith.constant 128 : i32
      %dma_wait3A_215 = arith.constant 0 : i32
      %dma_wait3A_216 = tpu.memref_slice %arg6[%dma_wait3A_213, %dma_wait3A_214, %dma_wait3A_215] : memref<2x1280x32xf32, #tpu.memory_space<vmem>> -> memref<1x128x32xf32, #tpu.memory_space<vmem>>
      %dma_wait3A_217 = tpu.memref_squeeze %dma_wait3A_216 : memref<1x128x32xf32, #tpu.memory_space<vmem>> -> memref<128x32xf32, #tpu.memory_space<vmem>>
      %dma_wait3A_218 = arith.constant 128 : i32
      %dma_wait3A_219 = tpu.memref_slice %arg5[%dma_wait3A_212, %dma_wait3A_218] : memref<2x1280xi32, #tpu.memory_space<vmem>> -> memref<1x128xi32, #tpu.memory_space<vmem>>
      %dma_wait3A_220 = tpu.memref_squeeze %dma_wait3A_219 : memref<1x128xi32, #tpu.memory_space<vmem>> -> memref<128xi32, #tpu.memory_space<vmem>>
      %dma_wait3A_221 = arith.constant 0 : i32
      %dma_wait3A_222 = arith.constant 0 : i32
      %dma_wait3A_223 = tpu.memref_slice %arg2[%dma_wait3A_221, %dma_wait3A_222] : memref<100000x32xf32, #tpu.memory_space<hbm>> -> memref<100000x32xf32, #tpu.memory_space<hbm>>
      tpu.wait_indirect_dma semaphore(%arg9 : memref<!tpu.dma_semaphore, #tpu.memory_space<semaphore_mem>>) src(%dma_wait3A_223 : memref<100000x32xf32, #tpu.memory_space<hbm>>) dst(%dma_wait3A_217 : memref<128x32xf32, #tpu.memory_space<vmem>>)
      %dma_wait3A_224 = arith.constant 0 : i32
      %dma_wait3A_225 = arith.constant 0 : i32
      %dma_wait3A_226 = arith.constant 256 : i32
      %dma_wait3A_227 = arith.constant 0 : i32
      %dma_wait3A_228 = tpu.memref_slice %arg6[%dma_wait3A_225, %dma_wait3A_226, %dma_wait3A_227] : memref<2x1280x32xf32, #tpu.memory_space<vmem>> -> memref<1x128x32xf32, #tpu.memory_space<vmem>>
      %dma_wait3A_229 = tpu.memref_squeeze %dma_wait3A_228 : memref<1x128x32xf32, #tpu.memory_space<vmem>> -> memref<128x32xf32, #tpu.memory_space<vmem>>
      %dma_wait3A_230 = arith.constant 256 : i32
      %dma_wait3A_231 = tpu.memref_slice %arg5[%dma_wait3A_224, %dma_wait3A_230] : memref<2x1280xi32, #tpu.memory_space<vmem>> -> memref<1x128xi32, #tpu.memory_space<vmem>>
      %dma_wait3A_232 = tpu.memref_squeeze %dma_wait3A_231 : memref<1x128xi32, #tpu.memory_space<vmem>> -> memref<128xi32, #tpu.memory_space<vmem>>
      %dma_wait3A_233 = arith.constant 0 : i32
      %dma_wait3A_234 = arith.constant 0 : i32
      %dma_wait3A_235 = tpu.memref_slice %arg2[%dma_wait3A_233, %dma_wait3A_234] : memref<100000x32xf32, #tpu.memory_space<hbm>> -> memref<100000x32xf32, #tpu.memory_space<hbm>>
      tpu.wait_indirect_dma semaphore(%arg9 : memref<!tpu.dma_semaphore, #tpu.memory_space<semaphore_mem>>) src(%dma_wait3A_235 : memref<100000x32xf32, #tpu.memory_space<hbm>>) dst(%dma_wait3A_229 : memref<128x32xf32, #tpu.memory_space<vmem>>)
      %dma_wait3A_236 = arith.constant 0 : i32
      %dma_wait3A_237 = arith.constant 0 : i32
      %dma_wait3A_238 = arith.constant 384 : i32
      %dma_wait3A_239 = arith.constant 0 : i32
      %dma_wait3A_240 = tpu.memref_slice %arg6[%dma_wait3A_237, %dma_wait3A_238, %dma_wait3A_239] : memref<2x1280x32xf32, #tpu.memory_space<vmem>> -> memref<1x128x32xf32, #tpu.memory_space<vmem>>
      %dma_wait3A_241 = tpu.memref_squeeze %dma_wait3A_240 : memref<1x128x32xf32, #tpu.memory_space<vmem>> -> memref<128x32xf32, #tpu.memory_space<vmem>>
      %dma_wait3A_242 = arith.constant 384 : i32
      %dma_wait3A_243 = tpu.memref_slice %arg5[%dma_wait3A_236, %dma_wait3A_242] : memref<2x1280xi32, #tpu.memory_space<vmem>> -> memref<1x128xi32, #tpu.memory_space<vmem>>
      %dma_wait3A_244 = tpu.memref_squeeze %dma_wait3A_243 : memref<1x128xi32, #tpu.memory_space<vmem>> -> memref<128xi32, #tpu.memory_space<vmem>>
      %dma_wait3A_245 = arith.constant 0 : i32
      %dma_wait3A_246 = arith.constant 0 : i32
      %dma_wait3A_247 = tpu.memref_slice %arg2[%dma_wait3A_245, %dma_wait3A_246] : memref<100000x32xf32, #tpu.memory_space<hbm>> -> memref<100000x32xf32, #tpu.memory_space<hbm>>
      tpu.wait_indirect_dma semaphore(%arg9 : memref<!tpu.dma_semaphore, #tpu.memory_space<semaphore_mem>>) src(%dma_wait3A_247 : memref<100000x32xf32, #tpu.memory_space<hbm>>) dst(%dma_wait3A_241 : memref<128x32xf32, #tpu.memory_space<vmem>>)
      %dma_wait3A_248 = arith.constant 0 : i32
      %dma_wait3A_249 = arith.constant 0 : i32
      %dma_wait3A_250 = arith.constant 512 : i32
      %dma_wait3A_251 = arith.constant 0 : i32
      %dma_wait3A_252 = tpu.memref_slice %arg6[%dma_wait3A_249, %dma_wait3A_250, %dma_wait3A_251] : memref<2x1280x32xf32, #tpu.memory_space<vmem>> -> memref<1x128x32xf32, #tpu.memory_space<vmem>>
      %dma_wait3A_253 = tpu.memref_squeeze %dma_wait3A_252 : memref<1x128x32xf32, #tpu.memory_space<vmem>> -> memref<128x32xf32, #tpu.memory_space<vmem>>
      %dma_wait3A_254 = arith.constant 512 : i32
      %dma_wait3A_255 = tpu.memref_slice %arg5[%dma_wait3A_248, %dma_wait3A_254] : memref<2x1280xi32, #tpu.memory_space<vmem>> -> memref<1x128xi32, #tpu.memory_space<vmem>>
      %dma_wait3A_256 = tpu.memref_squeeze %dma_wait3A_255 : memref<1x128xi32, #tpu.memory_space<vmem>> -> memref<128xi32, #tpu.memory_space<vmem>>
      %dma_wait3A_257 = arith.constant 0 : i32
      %dma_wait3A_258 = arith.constant 0 : i32
      %dma_wait3A_259 = tpu.memref_slice %arg2[%dma_wait3A_257, %dma_wait3A_258] : memref<100000x32xf32, #tpu.memory_space<hbm>> -> memref<100000x32xf32, #tpu.memory_space<hbm>>
      tpu.wait_indirect_dma semaphore(%arg9 : memref<!tpu.dma_semaphore, #tpu.memory_space<semaphore_mem>>) src(%dma_wait3A_259 : memref<100000x32xf32, #tpu.memory_space<hbm>>) dst(%dma_wait3A_253 : memref<128x32xf32, #tpu.memory_space<vmem>>)
      %dma_wait3A_260 = arith.constant 0 : i32
      %dma_wait3A_261 = arith.constant 0 : i32
      %dma_wait3A_262 = arith.constant 640 : i32
      %dma_wait3A_263 = arith.constant 0 : i32
      %dma_wait3A_264 = tpu.memref_slice %arg6[%dma_wait3A_261, %dma_wait3A_262, %dma_wait3A_263] : memref<2x1280x32xf32, #tpu.memory_space<vmem>> -> memref<1x128x32xf32, #tpu.memory_space<vmem>>
      %dma_wait3A_265 = tpu.memref_squeeze %dma_wait3A_264 : memref<1x128x32xf32, #tpu.memory_space<vmem>> -> memref<128x32xf32, #tpu.memory_space<vmem>>
      %dma_wait3A_266 = arith.constant 640 : i32
      %dma_wait3A_267 = tpu.memref_slice %arg5[%dma_wait3A_260, %dma_wait3A_266] : memref<2x1280xi32, #tpu.memory_space<vmem>> -> memref<1x128xi32, #tpu.memory_space<vmem>>
      %dma_wait3A_268 = tpu.memref_squeeze %dma_wait3A_267 : memref<1x128xi32, #tpu.memory_space<vmem>> -> memref<128xi32, #tpu.memory_space<vmem>>
      %dma_wait3A_269 = arith.constant 0 : i32
      %dma_wait3A_270 = arith.constant 0 : i32
      %dma_wait3A_271 = tpu.memref_slice %arg2[%dma_wait3A_269, %dma_wait3A_270] : memref<100000x32xf32, #tpu.memory_space<hbm>> -> memref<100000x32xf32, #tpu.memory_space<hbm>>
      tpu.wait_indirect_dma semaphore(%arg9 : memref<!tpu.dma_semaphore, #tpu.memory_space<semaphore_mem>>) src(%dma_wait3A_271 : memref<100000x32xf32, #tpu.memory_space<hbm>>) dst(%dma_wait3A_265 : memref<128x32xf32, #tpu.memory_space<vmem>>)
      %dma_wait3A_272 = arith.constant 0 : i32
      %dma_wait3A_273 = arith.constant 0 : i32
      %dma_wait3A_274 = arith.constant 768 : i32
      %dma_wait3A_275 = arith.constant 0 : i32
      %dma_wait3A_276 = tpu.memref_slice %arg6[%dma_wait3A_273, %dma_wait3A_274, %dma_wait3A_275] : memref<2x1280x32xf32, #tpu.memory_space<vmem>> -> memref<1x128x32xf32, #tpu.memory_space<vmem>>
      %dma_wait3A_277 = tpu.memref_squeeze %dma_wait3A_276 : memref<1x128x32xf32, #tpu.memory_space<vmem>> -> memref<128x32xf32, #tpu.memory_space<vmem>>
      %dma_wait3A_278 = arith.constant 768 : i32
      %dma_wait3A_279 = tpu.memref_slice %arg5[%dma_wait3A_272, %dma_wait3A_278] : memref<2x1280xi32, #tpu.memory_space<vmem>> -> memref<1x128xi32, #tpu.memory_space<vmem>>
      %dma_wait3A_280 = tpu.memref_squeeze %dma_wait3A_279 : memref<1x128xi32, #tpu.memory_space<vmem>> -> memref<128xi32, #tpu.memory_space<vmem>>
      %dma_wait3A_281 = arith.constant 0 : i32
      %dma_wait3A_282 = arith.constant 0 : i32
      %dma_wait3A_283 = tpu.memref_slice %arg2[%dma_wait3A_281, %dma_wait3A_282] : memref<100000x32xf32, #tpu.memory_space<hbm>> -> memref<100000x32xf32, #tpu.memory_space<hbm>>
      tpu.wait_indirect_dma semaphore(%arg9 : memref<!tpu.dma_semaphore, #tpu.memory_space<semaphore_mem>>) src(%dma_wait3A_283 : memref<100000x32xf32, #tpu.memory_space<hbm>>) dst(%dma_wait3A_277 : memref<128x32xf32, #tpu.memory_space<vmem>>)
      %dma_wait3A_284 = arith.constant 0 : i32
      %dma_wait3A_285 = arith.constant 0 : i32
      %dma_wait3A_286 = arith.constant 896 : i32
      %dma_wait3A_287 = arith.constant 0 : i32
      %dma_wait3A_288 = tpu.memref_slice %arg6[%dma_wait3A_285, %dma_wait3A_286, %dma_wait3A_287] : memref<2x1280x32xf32, #tpu.memory_space<vmem>> -> memref<1x128x32xf32, #tpu.memory_space<vmem>>
      %dma_wait3A_289 = tpu.memref_squeeze %dma_wait3A_288 : memref<1x128x32xf32, #tpu.memory_space<vmem>> -> memref<128x32xf32, #tpu.memory_space<vmem>>
      %dma_wait3A_290 = arith.constant 896 : i32
      %dma_wait3A_291 = tpu.memref_slice %arg5[%dma_wait3A_284, %dma_wait3A_290] : memref<2x1280xi32, #tpu.memory_space<vmem>> -> memref<1x128xi32, #tpu.memory_space<vmem>>
      %dma_wait3A_292 = tpu.memref_squeeze %dma_wait3A_291 : memref<1x128xi32, #tpu.memory_space<vmem>> -> memref<128xi32, #tpu.memory_space<vmem>>
      %dma_wait3A_293 = arith.constant 0 : i32
      %dma_wait3A_294 = arith.constant 0 : i32
      %dma_wait3A_295 = tpu.memref_slice %arg2[%dma_wait3A_293, %dma_wait3A_294] : memref<100000x32xf32, #tpu.memory_space<hbm>> -> memref<100000x32xf32, #tpu.memory_space<hbm>>
      tpu.wait_indirect_dma semaphore(%arg9 : memref<!tpu.dma_semaphore, #tpu.memory_space<semaphore_mem>>) src(%dma_wait3A_295 : memref<100000x32xf32, #tpu.memory_space<hbm>>) dst(%dma_wait3A_289 : memref<128x32xf32, #tpu.memory_space<vmem>>)
      %dma_wait3A_296 = arith.constant 0 : i32
      %dma_wait3A_297 = arith.constant 0 : i32
      %dma_wait3A_298 = arith.constant 1024 : i32
      %dma_wait3A_299 = arith.constant 0 : i32
      %dma_wait3A_300 = tpu.memref_slice %arg6[%dma_wait3A_297, %dma_wait3A_298, %dma_wait3A_299] : memref<2x1280x32xf32, #tpu.memory_space<vmem>> -> memref<1x128x32xf32, #tpu.memory_space<vmem>>
      %dma_wait3A_301 = tpu.memref_squeeze %dma_wait3A_300 : memref<1x128x32xf32, #tpu.memory_space<vmem>> -> memref<128x32xf32, #tpu.memory_space<vmem>>
      %dma_wait3A_302 = arith.constant 1024 : i32
      %dma_wait3A_303 = tpu.memref_slice %arg5[%dma_wait3A_296, %dma_wait3A_302] : memref<2x1280xi32, #tpu.memory_space<vmem>> -> memref<1x128xi32, #tpu.memory_space<vmem>>
      %dma_wait3A_304 = tpu.memref_squeeze %dma_wait3A_303 : memref<1x128xi32, #tpu.memory_space<vmem>> -> memref<128xi32, #tpu.memory_space<vmem>>
      %dma_wait3A_305 = arith.constant 0 : i32
      %dma_wait3A_306 = arith.constant 0 : i32
      %dma_wait3A_307 = tpu.memref_slice %arg2[%dma_wait3A_305, %dma_wait3A_306] : memref<100000x32xf32, #tpu.memory_space<hbm>> -> memref<100000x32xf32, #tpu.memory_space<hbm>>
      tpu.wait_indirect_dma semaphore(%arg9 : memref<!tpu.dma_semaphore, #tpu.memory_space<semaphore_mem>>) src(%dma_wait3A_307 : memref<100000x32xf32, #tpu.memory_space<hbm>>) dst(%dma_wait3A_301 : memref<128x32xf32, #tpu.memory_space<vmem>>)
      %dma_wait3A_308 = arith.constant 0 : i32
      %dma_wait3A_309 = arith.constant 0 : i32
      %dma_wait3A_310 = arith.constant 1152 : i32
      %dma_wait3A_311 = arith.constant 0 : i32
      %dma_wait3A_312 = tpu.memref_slice %arg6[%dma_wait3A_309, %dma_wait3A_310, %dma_wait3A_311] : memref<2x1280x32xf32, #tpu.memory_space<vmem>> -> memref<1x128x32xf32, #tpu.memory_space<vmem>>
      %dma_wait3A_313 = tpu.memref_squeeze %dma_wait3A_312 : memref<1x128x32xf32, #tpu.memory_space<vmem>> -> memref<128x32xf32, #tpu.memory_space<vmem>>
      %dma_wait3A_314 = arith.constant 1152 : i32
      %dma_wait3A_315 = tpu.memref_slice %arg5[%dma_wait3A_308, %dma_wait3A_314] : memref<2x1280xi32, #tpu.memory_space<vmem>> -> memref<1x128xi32, #tpu.memory_space<vmem>>
      %dma_wait3A_316 = tpu.memref_squeeze %dma_wait3A_315 : memref<1x128xi32, #tpu.memory_space<vmem>> -> memref<128xi32, #tpu.memory_space<vmem>>
      %dma_wait3A_317 = arith.constant 0 : i32
      %dma_wait3A_318 = arith.constant 0 : i32
      %dma_wait3A_319 = tpu.memref_slice %arg2[%dma_wait3A_317, %dma_wait3A_318] : memref<100000x32xf32, #tpu.memory_space<hbm>> -> memref<100000x32xf32, #tpu.memory_space<hbm>>
      tpu.wait_indirect_dma semaphore(%arg9 : memref<!tpu.dma_semaphore, #tpu.memory_space<semaphore_mem>>) src(%dma_wait3A_319 : memref<100000x32xf32, #tpu.memory_space<hbm>>) dst(%dma_wait3A_313 : memref<128x32xf32, #tpu.memory_space<vmem>>)
      %lt3A = arith.constant 9 : i32
      %lt3A_320 = arith.cmpi slt, %add3A_61, %lt3A : i32
      %convert_element_type3A_321 = arith.extui %lt3A_320 : i1 to i32
      %cond3A_322 = arith.constant 0 : i32
      %cond3A_323 = arith.cmpi ne, %convert_element_type3A_321, %cond3A_322 : i32
      scf.if %cond3A_323 {
        %add3A_622 = arith.constant 2 : i32
        %add3A_623 = arith.addi %add3A_65, %add3A_622 : i32
        %mul3A_624 = arith.constant 1280 : i32
        %mul3A_625 = arith.muli %add3A_623, %mul3A_624 : i32
        %add3A_626 = arith.addi %mul3A_2, %mul3A_625 : i32
        %dma_start3A_627 = arith.constant 0 : i32
        %dma_start3A_628 = arith.constant 0 : i32
        %dma_start3A_629 = tpu.memref_slice %arg5[%dma_start3A_627, %dma_start3A_628] : memref<2x1280xi32, #tpu.memory_space<vmem>> -> memref<1x1280xi32, #tpu.memory_space<vmem>>
        %dma_start3A_630 = tpu.memref_squeeze %dma_start3A_629 : memref<1x1280xi32, #tpu.memory_space<vmem>> -> memref<1280xi32, #tpu.memory_space<vmem>>
        %dma_start3A_631 = tpu.memref_slice %arg3[%add3A_626] : memref<819200xi32, #tpu.memory_space<hbm>> -> memref<1280xi32, #tpu.memory_space<hbm>>
        %dma_start3A_632 = arith.constant 0 : i32
        %dma_start3A_633 = tpu.memref_slice %arg5[%dma_start3A_627, %dma_start3A_632] : memref<2x1280xi32, #tpu.memory_space<vmem>> -> memref<1x1280xi32, #tpu.memory_space<vmem>>
        %dma_start3A_634 = tpu.memref_squeeze %dma_start3A_633 : memref<1x1280xi32, #tpu.memory_space<vmem>> -> memref<1280xi32, #tpu.memory_space<vmem>>
        %dma_start3A_635 = tpu.memref_slice %arg3[%add3A_626] : memref<819200xi32, #tpu.memory_space<hbm>> -> memref<1280xi32, #tpu.memory_space<hbm>>
        tpu.enqueue_dma source(%dma_start3A_635 : memref<1280xi32, #tpu.memory_space<hbm>>) target(%dma_start3A_634 : memref<1280xi32, #tpu.memory_space<vmem>>) target_semaphore(%arg7 : memref<!tpu.dma_semaphore, #tpu.memory_space<semaphore_mem>>)
      } else {
      }
      %mul3A_324 = arith.constant 1280 : i32
      %mul3A_325 = arith.muli %add3A_65, %mul3A_324 : i32
      %add3A_326 = arith.addi %mul3A_2, %mul3A_325 : i32
      %dma_start3A_327 = arith.constant 0 : i32
      %dma_start3A_328 = arith.constant 0 : i32
      %dma_start3A_329 = arith.constant 0 : i32
      %dma_start3A_330 = tpu.memref_slice %arg6[%dma_start3A_327, %dma_start3A_328, %dma_start3A_329] : memref<2x1280x32xf32, #tpu.memory_space<vmem>> -> memref<1x1280x32xf32, #tpu.memory_space<vmem>>
      %dma_start3A_331 = tpu.memref_squeeze %dma_start3A_330 : memref<1x1280x32xf32, #tpu.memory_space<vmem>> -> memref<1280x32xf32, #tpu.memory_space<vmem>>
      %dma_start3A_332 = arith.constant 0 : i32
      %dma_start3A_333 = tpu.memref_slice %arg4[%add3A_326, %dma_start3A_332] : memref<819200x128xf32, #tpu.memory_space<hbm>> -> memref<1280x32xf32, #tpu.memory_space<hbm>>
      %dma_start3A_334 = arith.constant 0 : i32
      %dma_start3A_335 = tpu.memref_slice %arg4[%add3A_326, %dma_start3A_334] : memref<819200x128xf32, #tpu.memory_space<hbm>> -> memref<1280x32xf32, #tpu.memory_space<hbm>>
      %dma_start3A_336 = arith.constant 0 : i32
      %dma_start3A_337 = arith.constant 0 : i32
      %dma_start3A_338 = tpu.memref_slice %arg6[%dma_start3A_327, %dma_start3A_336, %dma_start3A_337] : memref<2x1280x32xf32, #tpu.memory_space<vmem>> -> memref<1x1280x32xf32, #tpu.memory_space<vmem>>
      %dma_start3A_339 = tpu.memref_squeeze %dma_start3A_338 : memref<1x1280x32xf32, #tpu.memory_space<vmem>> -> memref<1280x32xf32, #tpu.memory_space<vmem>>
      tpu.enqueue_dma source(%dma_start3A_339 : memref<1280x32xf32, #tpu.memory_space<vmem>>) target(%dma_start3A_335 : memref<1280x32xf32, #tpu.memory_space<hbm>>) target_semaphore(%arg11 : memref<!tpu.dma_semaphore, #tpu.memory_space<semaphore_mem>>)
      %mul3A_340 = arith.constant 2 : i32
      %mul3A_341 = arith.muli %add3A_61, %mul3A_340 : i32
      %add3A_342 = arith.constant 1 : i32
      %add3A_343 = arith.addi %mul3A_341, %add3A_342 : i32
      %mul3A_344 = arith.constant 1280 : i32
      %mul3A_345 = arith.muli %add3A_343, %mul3A_344 : i32
      %add3A_346 = arith.addi %mul3A_2, %mul3A_345 : i32
      %dma_wait3A_347 = arith.constant 1 : i32
      %dma_wait3A_348 = arith.constant 0 : i32
      %dma_wait3A_349 = tpu.memref_slice %arg5[%dma_wait3A_347, %dma_wait3A_348] : memref<2x1280xi32, #tpu.memory_space<vmem>> -> memref<1x1280xi32, #tpu.memory_space<vmem>>
      %dma_wait3A_350 = tpu.memref_squeeze %dma_wait3A_349 : memref<1x1280xi32, #tpu.memory_space<vmem>> -> memref<1280xi32, #tpu.memory_space<vmem>>
      %dma_wait3A_351 = tpu.memref_slice %arg3[%add3A_346] : memref<819200xi32, #tpu.memory_space<hbm>> -> memref<1280xi32, #tpu.memory_space<hbm>>
      %dma_wait3A_352 = arith.constant 0 : i32
      %dma_wait3A_353 = tpu.memref_slice %arg5[%dma_wait3A_347, %dma_wait3A_352] : memref<2x1280xi32, #tpu.memory_space<vmem>> -> memref<1x1280xi32, #tpu.memory_space<vmem>>
      %dma_wait3A_354 = tpu.memref_squeeze %dma_wait3A_353 : memref<1x1280xi32, #tpu.memory_space<vmem>> -> memref<1280xi32, #tpu.memory_space<vmem>>
      %dma_wait3A_355 = tpu.memref_slice %arg3[%add3A_346] : memref<819200xi32, #tpu.memory_space<hbm>> -> memref<1280xi32, #tpu.memory_space<hbm>>
      tpu.wait_dma2 semaphore(%arg8 : memref<!tpu.dma_semaphore, #tpu.memory_space<semaphore_mem>>) src(%dma_wait3A_355 : memref<1280xi32, #tpu.memory_space<hbm>>) dst(%dma_wait3A_354 : memref<1280xi32, #tpu.memory_space<vmem>>)
      %ge3A_356 = arith.constant 1 : i32
      %ge3A_357 = arith.cmpi sge, %add3A_61, %ge3A_356 : i32
      %convert_element_type3A_358 = arith.extui %ge3A_357 : i1 to i32
      %cond3A_359 = arith.constant 0 : i32
      %cond3A_360 = arith.cmpi ne, %convert_element_type3A_358, %cond3A_359 : i32
      scf.if %cond3A_360 {
        %mul3A_622 = arith.constant 1280 : i32
        %mul3A_623 = arith.muli %add3A_343, %mul3A_622 : i32
        %add3A_624 = arith.addi %mul3A_2, %mul3A_623 : i32
        %dma_wait3A_625 = arith.constant 1 : i32
        %dma_wait3A_626 = arith.constant 0 : i32
        %dma_wait3A_627 = arith.constant 0 : i32
        %dma_wait3A_628 = tpu.memref_slice %arg6[%dma_wait3A_625, %dma_wait3A_626, %dma_wait3A_627] : memref<2x1280x32xf32, #tpu.memory_space<vmem>> -> memref<1x1280x32xf32, #tpu.memory_space<vmem>>
        %dma_wait3A_629 = tpu.memref_squeeze %dma_wait3A_628 : memref<1x1280x32xf32, #tpu.memory_space<vmem>> -> memref<1280x32xf32, #tpu.memory_space<vmem>>
        %dma_wait3A_630 = arith.constant 0 : i32
        %dma_wait3A_631 = tpu.memref_slice %arg4[%add3A_624, %dma_wait3A_630] : memref<819200x128xf32, #tpu.memory_space<hbm>> -> memref<1280x32xf32, #tpu.memory_space<hbm>>
        %dma_wait3A_632 = arith.constant 0 : i32
        %dma_wait3A_633 = tpu.memref_slice %arg4[%add3A_624, %dma_wait3A_632] : memref<819200x128xf32, #tpu.memory_space<hbm>> -> memref<1280x32xf32, #tpu.memory_space<hbm>>
        %dma_wait3A_634 = arith.constant 0 : i32
        %dma_wait3A_635 = arith.constant 0 : i32
        %dma_wait3A_636 = tpu.memref_slice %arg6[%dma_wait3A_625, %dma_wait3A_634, %dma_wait3A_635] : memref<2x1280x32xf32, #tpu.memory_space<vmem>> -> memref<1x1280x32xf32, #tpu.memory_space<vmem>>
        %dma_wait3A_637 = tpu.memref_squeeze %dma_wait3A_636 : memref<1x1280x32xf32, #tpu.memory_space<vmem>> -> memref<1280x32xf32, #tpu.memory_space<vmem>>
        tpu.wait_dma2 semaphore(%arg12 : memref<!tpu.dma_semaphore, #tpu.memory_space<semaphore_mem>>) src(%dma_wait3A_637 : memref<1280x32xf32, #tpu.memory_space<vmem>>) dst(%dma_wait3A_633 : memref<1280x32xf32, #tpu.memory_space<hbm>>)
      } else {
      }
      %dma_start3A_361 = arith.constant 1 : i32
      %dma_start3A_362 = arith.constant 1 : i32
      %dma_start3A_363 = arith.constant 0 : i32
      %dma_start3A_364 = arith.constant 0 : i32
      %dma_start3A_365 = tpu.memref_slice %arg6[%dma_start3A_362, %dma_start3A_363, %dma_start3A_364] : memref<2x1280x32xf32, #tpu.memory_space<vmem>> -> memref<1x128x32xf32, #tpu.memory_space<vmem>>
      %dma_start3A_366 = tpu.memref_squeeze %dma_start3A_365 : memref<1x128x32xf32, #tpu.memory_space<vmem>> -> memref<128x32xf32, #tpu.memory_space<vmem>>
      %dma_start3A_367 = arith.constant 0 : i32
      %dma_start3A_368 = tpu.memref_slice %arg5[%dma_start3A_361, %dma_start3A_367] : memref<2x1280xi32, #tpu.memory_space<vmem>> -> memref<1x128xi32, #tpu.memory_space<vmem>>
      %dma_start3A_369 = tpu.memref_squeeze %dma_start3A_368 : memref<1x128xi32, #tpu.memory_space<vmem>> -> memref<128xi32, #tpu.memory_space<vmem>>
      %dma_start3A_370 = arith.constant 0 : i32
      %dma_start3A_371 = arith.constant 0 : i32
      %dma_start3A_372 = tpu.memref_slice %arg2[%dma_start3A_370, %dma_start3A_371] : memref<100000x32xf32, #tpu.memory_space<hbm>> -> memref<100000x32xf32, #tpu.memory_space<hbm>>
      tpu.enqueue_indirect_dma source(%dma_start3A_372 : memref<100000x32xf32, #tpu.memory_space<hbm>>) target(%dma_start3A_366 : memref<128x32xf32, #tpu.memory_space<vmem>>) offsets(%dma_start3A_369 : memref<128xi32, #tpu.memory_space<vmem>>) semaphore(%arg10 : memref<!tpu.dma_semaphore, #tpu.memory_space<semaphore_mem>>)
      %dma_start3A_373 = arith.constant 1 : i32
      %dma_start3A_374 = arith.constant 1 : i32
      %dma_start3A_375 = arith.constant 128 : i32
      %dma_start3A_376 = arith.constant 0 : i32
      %dma_start3A_377 = tpu.memref_slice %arg6[%dma_start3A_374, %dma_start3A_375, %dma_start3A_376] : memref<2x1280x32xf32, #tpu.memory_space<vmem>> -> memref<1x128x32xf32, #tpu.memory_space<vmem>>
      %dma_start3A_378 = tpu.memref_squeeze %dma_start3A_377 : memref<1x128x32xf32, #tpu.memory_space<vmem>> -> memref<128x32xf32, #tpu.memory_space<vmem>>
      %dma_start3A_379 = arith.constant 128 : i32
      %dma_start3A_380 = tpu.memref_slice %arg5[%dma_start3A_373, %dma_start3A_379] : memref<2x1280xi32, #tpu.memory_space<vmem>> -> memref<1x128xi32, #tpu.memory_space<vmem>>
      %dma_start3A_381 = tpu.memref_squeeze %dma_start3A_380 : memref<1x128xi32, #tpu.memory_space<vmem>> -> memref<128xi32, #tpu.memory_space<vmem>>
      %dma_start3A_382 = arith.constant 0 : i32
      %dma_start3A_383 = arith.constant 0 : i32
      %dma_start3A_384 = tpu.memref_slice %arg2[%dma_start3A_382, %dma_start3A_383] : memref<100000x32xf32, #tpu.memory_space<hbm>> -> memref<100000x32xf32, #tpu.memory_space<hbm>>
      tpu.enqueue_indirect_dma source(%dma_start3A_384 : memref<100000x32xf32, #tpu.memory_space<hbm>>) target(%dma_start3A_378 : memref<128x32xf32, #tpu.memory_space<vmem>>) offsets(%dma_start3A_381 : memref<128xi32, #tpu.memory_space<vmem>>) semaphore(%arg10 : memref<!tpu.dma_semaphore, #tpu.memory_space<semaphore_mem>>)
      %dma_start3A_385 = arith.constant 1 : i32
      %dma_start3A_386 = arith.constant 1 : i32
      %dma_start3A_387 = arith.constant 256 : i32
      %dma_start3A_388 = arith.constant 0 : i32
      %dma_start3A_389 = tpu.memref_slice %arg6[%dma_start3A_386, %dma_start3A_387, %dma_start3A_388] : memref<2x1280x32xf32, #tpu.memory_space<vmem>> -> memref<1x128x32xf32, #tpu.memory_space<vmem>>
      %dma_start3A_390 = tpu.memref_squeeze %dma_start3A_389 : memref<1x128x32xf32, #tpu.memory_space<vmem>> -> memref<128x32xf32, #tpu.memory_space<vmem>>
      %dma_start3A_391 = arith.constant 256 : i32
      %dma_start3A_392 = tpu.memref_slice %arg5[%dma_start3A_385, %dma_start3A_391] : memref<2x1280xi32, #tpu.memory_space<vmem>> -> memref<1x128xi32, #tpu.memory_space<vmem>>
      %dma_start3A_393 = tpu.memref_squeeze %dma_start3A_392 : memref<1x128xi32, #tpu.memory_space<vmem>> -> memref<128xi32, #tpu.memory_space<vmem>>
      %dma_start3A_394 = arith.constant 0 : i32
      %dma_start3A_395 = arith.constant 0 : i32
      %dma_start3A_396 = tpu.memref_slice %arg2[%dma_start3A_394, %dma_start3A_395] : memref<100000x32xf32, #tpu.memory_space<hbm>> -> memref<100000x32xf32, #tpu.memory_space<hbm>>
      tpu.enqueue_indirect_dma source(%dma_start3A_396 : memref<100000x32xf32, #tpu.memory_space<hbm>>) target(%dma_start3A_390 : memref<128x32xf32, #tpu.memory_space<vmem>>) offsets(%dma_start3A_393 : memref<128xi32, #tpu.memory_space<vmem>>) semaphore(%arg10 : memref<!tpu.dma_semaphore, #tpu.memory_space<semaphore_mem>>)
      %dma_start3A_397 = arith.constant 1 : i32
      %dma_start3A_398 = arith.constant 1 : i32
      %dma_start3A_399 = arith.constant 384 : i32
      %dma_start3A_400 = arith.constant 0 : i32
      %dma_start3A_401 = tpu.memref_slice %arg6[%dma_start3A_398, %dma_start3A_399, %dma_start3A_400] : memref<2x1280x32xf32, #tpu.memory_space<vmem>> -> memref<1x128x32xf32, #tpu.memory_space<vmem>>
      %dma_start3A_402 = tpu.memref_squeeze %dma_start3A_401 : memref<1x128x32xf32, #tpu.memory_space<vmem>> -> memref<128x32xf32, #tpu.memory_space<vmem>>
      %dma_start3A_403 = arith.constant 384 : i32
      %dma_start3A_404 = tpu.memref_slice %arg5[%dma_start3A_397, %dma_start3A_403] : memref<2x1280xi32, #tpu.memory_space<vmem>> -> memref<1x128xi32, #tpu.memory_space<vmem>>
      %dma_start3A_405 = tpu.memref_squeeze %dma_start3A_404 : memref<1x128xi32, #tpu.memory_space<vmem>> -> memref<128xi32, #tpu.memory_space<vmem>>
      %dma_start3A_406 = arith.constant 0 : i32
      %dma_start3A_407 = arith.constant 0 : i32
      %dma_start3A_408 = tpu.memref_slice %arg2[%dma_start3A_406, %dma_start3A_407] : memref<100000x32xf32, #tpu.memory_space<hbm>> -> memref<100000x32xf32, #tpu.memory_space<hbm>>
      tpu.enqueue_indirect_dma source(%dma_start3A_408 : memref<100000x32xf32, #tpu.memory_space<hbm>>) target(%dma_start3A_402 : memref<128x32xf32, #tpu.memory_space<vmem>>) offsets(%dma_start3A_405 : memref<128xi32, #tpu.memory_space<vmem>>) semaphore(%arg10 : memref<!tpu.dma_semaphore, #tpu.memory_space<semaphore_mem>>)
      %dma_start3A_409 = arith.constant 1 : i32
      %dma_start3A_410 = arith.constant 1 : i32
      %dma_start3A_411 = arith.constant 512 : i32
      %dma_start3A_412 = arith.constant 0 : i32
      %dma_start3A_413 = tpu.memref_slice %arg6[%dma_start3A_410, %dma_start3A_411, %dma_start3A_412] : memref<2x1280x32xf32, #tpu.memory_space<vmem>> -> memref<1x128x32xf32, #tpu.memory_space<vmem>>
      %dma_start3A_414 = tpu.memref_squeeze %dma_start3A_413 : memref<1x128x32xf32, #tpu.memory_space<vmem>> -> memref<128x32xf32, #tpu.memory_space<vmem>>
      %dma_start3A_415 = arith.constant 512 : i32
      %dma_start3A_416 = tpu.memref_slice %arg5[%dma_start3A_409, %dma_start3A_415] : memref<2x1280xi32, #tpu.memory_space<vmem>> -> memref<1x128xi32, #tpu.memory_space<vmem>>
      %dma_start3A_417 = tpu.memref_squeeze %dma_start3A_416 : memref<1x128xi32, #tpu.memory_space<vmem>> -> memref<128xi32, #tpu.memory_space<vmem>>
      %dma_start3A_418 = arith.constant 0 : i32
      %dma_start3A_419 = arith.constant 0 : i32
      %dma_start3A_420 = tpu.memref_slice %arg2[%dma_start3A_418, %dma_start3A_419] : memref<100000x32xf32, #tpu.memory_space<hbm>> -> memref<100000x32xf32, #tpu.memory_space<hbm>>
      tpu.enqueue_indirect_dma source(%dma_start3A_420 : memref<100000x32xf32, #tpu.memory_space<hbm>>) target(%dma_start3A_414 : memref<128x32xf32, #tpu.memory_space<vmem>>) offsets(%dma_start3A_417 : memref<128xi32, #tpu.memory_space<vmem>>) semaphore(%arg10 : memref<!tpu.dma_semaphore, #tpu.memory_space<semaphore_mem>>)
      %dma_start3A_421 = arith.constant 1 : i32
      %dma_start3A_422 = arith.constant 1 : i32
      %dma_start3A_423 = arith.constant 640 : i32
      %dma_start3A_424 = arith.constant 0 : i32
      %dma_start3A_425 = tpu.memref_slice %arg6[%dma_start3A_422, %dma_start3A_423, %dma_start3A_424] : memref<2x1280x32xf32, #tpu.memory_space<vmem>> -> memref<1x128x32xf32, #tpu.memory_space<vmem>>
      %dma_start3A_426 = tpu.memref_squeeze %dma_start3A_425 : memref<1x128x32xf32, #tpu.memory_space<vmem>> -> memref<128x32xf32, #tpu.memory_space<vmem>>
      %dma_start3A_427 = arith.constant 640 : i32
      %dma_start3A_428 = tpu.memref_slice %arg5[%dma_start3A_421, %dma_start3A_427] : memref<2x1280xi32, #tpu.memory_space<vmem>> -> memref<1x128xi32, #tpu.memory_space<vmem>>
      %dma_start3A_429 = tpu.memref_squeeze %dma_start3A_428 : memref<1x128xi32, #tpu.memory_space<vmem>> -> memref<128xi32, #tpu.memory_space<vmem>>
      %dma_start3A_430 = arith.constant 0 : i32
      %dma_start3A_431 = arith.constant 0 : i32
      %dma_start3A_432 = tpu.memref_slice %arg2[%dma_start3A_430, %dma_start3A_431] : memref<100000x32xf32, #tpu.memory_space<hbm>> -> memref<100000x32xf32, #tpu.memory_space<hbm>>
      tpu.enqueue_indirect_dma source(%dma_start3A_432 : memref<100000x32xf32, #tpu.memory_space<hbm>>) target(%dma_start3A_426 : memref<128x32xf32, #tpu.memory_space<vmem>>) offsets(%dma_start3A_429 : memref<128xi32, #tpu.memory_space<vmem>>) semaphore(%arg10 : memref<!tpu.dma_semaphore, #tpu.memory_space<semaphore_mem>>)
      %dma_start3A_433 = arith.constant 1 : i32
      %dma_start3A_434 = arith.constant 1 : i32
      %dma_start3A_435 = arith.constant 768 : i32
      %dma_start3A_436 = arith.constant 0 : i32
      %dma_start3A_437 = tpu.memref_slice %arg6[%dma_start3A_434, %dma_start3A_435, %dma_start3A_436] : memref<2x1280x32xf32, #tpu.memory_space<vmem>> -> memref<1x128x32xf32, #tpu.memory_space<vmem>>
      %dma_start3A_438 = tpu.memref_squeeze %dma_start3A_437 : memref<1x128x32xf32, #tpu.memory_space<vmem>> -> memref<128x32xf32, #tpu.memory_space<vmem>>
      %dma_start3A_439 = arith.constant 768 : i32
      %dma_start3A_440 = tpu.memref_slice %arg5[%dma_start3A_433, %dma_start3A_439] : memref<2x1280xi32, #tpu.memory_space<vmem>> -> memref<1x128xi32, #tpu.memory_space<vmem>>
      %dma_start3A_441 = tpu.memref_squeeze %dma_start3A_440 : memref<1x128xi32, #tpu.memory_space<vmem>> -> memref<128xi32, #tpu.memory_space<vmem>>
      %dma_start3A_442 = arith.constant 0 : i32
      %dma_start3A_443 = arith.constant 0 : i32
      %dma_start3A_444 = tpu.memref_slice %arg2[%dma_start3A_442, %dma_start3A_443] : memref<100000x32xf32, #tpu.memory_space<hbm>> -> memref<100000x32xf32, #tpu.memory_space<hbm>>
      tpu.enqueue_indirect_dma source(%dma_start3A_444 : memref<100000x32xf32, #tpu.memory_space<hbm>>) target(%dma_start3A_438 : memref<128x32xf32, #tpu.memory_space<vmem>>) offsets(%dma_start3A_441 : memref<128xi32, #tpu.memory_space<vmem>>) semaphore(%arg10 : memref<!tpu.dma_semaphore, #tpu.memory_space<semaphore_mem>>)
      %dma_start3A_445 = arith.constant 1 : i32
      %dma_start3A_446 = arith.constant 1 : i32
      %dma_start3A_447 = arith.constant 896 : i32
      %dma_start3A_448 = arith.constant 0 : i32
      %dma_start3A_449 = tpu.memref_slice %arg6[%dma_start3A_446, %dma_start3A_447, %dma_start3A_448] : memref<2x1280x32xf32, #tpu.memory_space<vmem>> -> memref<1x128x32xf32, #tpu.memory_space<vmem>>
      %dma_start3A_450 = tpu.memref_squeeze %dma_start3A_449 : memref<1x128x32xf32, #tpu.memory_space<vmem>> -> memref<128x32xf32, #tpu.memory_space<vmem>>
      %dma_start3A_451 = arith.constant 896 : i32
      %dma_start3A_452 = tpu.memref_slice %arg5[%dma_start3A_445, %dma_start3A_451] : memref<2x1280xi32, #tpu.memory_space<vmem>> -> memref<1x128xi32, #tpu.memory_space<vmem>>
      %dma_start3A_453 = tpu.memref_squeeze %dma_start3A_452 : memref<1x128xi32, #tpu.memory_space<vmem>> -> memref<128xi32, #tpu.memory_space<vmem>>
      %dma_start3A_454 = arith.constant 0 : i32
      %dma_start3A_455 = arith.constant 0 : i32
      %dma_start3A_456 = tpu.memref_slice %arg2[%dma_start3A_454, %dma_start3A_455] : memref<100000x32xf32, #tpu.memory_space<hbm>> -> memref<100000x32xf32, #tpu.memory_space<hbm>>
      tpu.enqueue_indirect_dma source(%dma_start3A_456 : memref<100000x32xf32, #tpu.memory_space<hbm>>) target(%dma_start3A_450 : memref<128x32xf32, #tpu.memory_space<vmem>>) offsets(%dma_start3A_453 : memref<128xi32, #tpu.memory_space<vmem>>) semaphore(%arg10 : memref<!tpu.dma_semaphore, #tpu.memory_space<semaphore_mem>>)
      %dma_start3A_457 = arith.constant 1 : i32
      %dma_start3A_458 = arith.constant 1 : i32
      %dma_start3A_459 = arith.constant 1024 : i32
      %dma_start3A_460 = arith.constant 0 : i32
      %dma_start3A_461 = tpu.memref_slice %arg6[%dma_start3A_458, %dma_start3A_459, %dma_start3A_460] : memref<2x1280x32xf32, #tpu.memory_space<vmem>> -> memref<1x128x32xf32, #tpu.memory_space<vmem>>
      %dma_start3A_462 = tpu.memref_squeeze %dma_start3A_461 : memref<1x128x32xf32, #tpu.memory_space<vmem>> -> memref<128x32xf32, #tpu.memory_space<vmem>>
      %dma_start3A_463 = arith.constant 1024 : i32
      %dma_start3A_464 = tpu.memref_slice %arg5[%dma_start3A_457, %dma_start3A_463] : memref<2x1280xi32, #tpu.memory_space<vmem>> -> memref<1x128xi32, #tpu.memory_space<vmem>>
      %dma_start3A_465 = tpu.memref_squeeze %dma_start3A_464 : memref<1x128xi32, #tpu.memory_space<vmem>> -> memref<128xi32, #tpu.memory_space<vmem>>
      %dma_start3A_466 = arith.constant 0 : i32
      %dma_start3A_467 = arith.constant 0 : i32
      %dma_start3A_468 = tpu.memref_slice %arg2[%dma_start3A_466, %dma_start3A_467] : memref<100000x32xf32, #tpu.memory_space<hbm>> -> memref<100000x32xf32, #tpu.memory_space<hbm>>
      tpu.enqueue_indirect_dma source(%dma_start3A_468 : memref<100000x32xf32, #tpu.memory_space<hbm>>) target(%dma_start3A_462 : memref<128x32xf32, #tpu.memory_space<vmem>>) offsets(%dma_start3A_465 : memref<128xi32, #tpu.memory_space<vmem>>) semaphore(%arg10 : memref<!tpu.dma_semaphore, #tpu.memory_space<semaphore_mem>>)
      %dma_start3A_469 = arith.constant 1 : i32
      %dma_start3A_470 = arith.constant 1 : i32
      %dma_start3A_471 = arith.constant 1152 : i32
      %dma_start3A_472 = arith.constant 0 : i32
      %dma_start3A_473 = tpu.memref_slice %arg6[%dma_start3A_470, %dma_start3A_471, %dma_start3A_472] : memref<2x1280x32xf32, #tpu.memory_space<vmem>> -> memref<1x128x32xf32, #tpu.memory_space<vmem>>
      %dma_start3A_474 = tpu.memref_squeeze %dma_start3A_473 : memref<1x128x32xf32, #tpu.memory_space<vmem>> -> memref<128x32xf32, #tpu.memory_space<vmem>>
      %dma_start3A_475 = arith.constant 1152 : i32
      %dma_start3A_476 = tpu.memref_slice %arg5[%dma_start3A_469, %dma_start3A_475] : memref<2x1280xi32, #tpu.memory_space<vmem>> -> memref<1x128xi32, #tpu.memory_space<vmem>>
      %dma_start3A_477 = tpu.memref_squeeze %dma_start3A_476 : memref<1x128xi32, #tpu.memory_space<vmem>> -> memref<128xi32, #tpu.memory_space<vmem>>
      %dma_start3A_478 = arith.constant 0 : i32
      %dma_start3A_479 = arith.constant 0 : i32
      %dma_start3A_480 = tpu.memref_slice %arg2[%dma_start3A_478, %dma_start3A_479] : memref<100000x32xf32, #tpu.memory_space<hbm>> -> memref<100000x32xf32, #tpu.memory_space<hbm>>
      tpu.enqueue_indirect_dma source(%dma_start3A_480 : memref<100000x32xf32, #tpu.memory_space<hbm>>) target(%dma_start3A_474 : memref<128x32xf32, #tpu.memory_space<vmem>>) offsets(%dma_start3A_477 : memref<128xi32, #tpu.memory_space<vmem>>) semaphore(%arg10 : memref<!tpu.dma_semaphore, #tpu.memory_space<semaphore_mem>>)
      %dma_wait3A_481 = arith.constant 1 : i32
      %dma_wait3A_482 = arith.constant 1 : i32
      %dma_wait3A_483 = arith.constant 0 : i32
      %dma_wait3A_484 = arith.constant 0 : i32
      %dma_wait3A_485 = tpu.memref_slice %arg6[%dma_wait3A_482, %dma_wait3A_483, %dma_wait3A_484] : memref<2x1280x32xf32, #tpu.memory_space<vmem>> -> memref<1x128x32xf32, #tpu.memory_space<vmem>>
      %dma_wait3A_486 = tpu.memref_squeeze %dma_wait3A_485 : memref<1x128x32xf32, #tpu.memory_space<vmem>> -> memref<128x32xf32, #tpu.memory_space<vmem>>
      %dma_wait3A_487 = arith.constant 0 : i32
      %dma_wait3A_488 = tpu.memref_slice %arg5[%dma_wait3A_481, %dma_wait3A_487] : memref<2x1280xi32, #tpu.memory_space<vmem>> -> memref<1x128xi32, #tpu.memory_space<vmem>>
      %dma_wait3A_489 = tpu.memref_squeeze %dma_wait3A_488 : memref<1x128xi32, #tpu.memory_space<vmem>> -> memref<128xi32, #tpu.memory_space<vmem>>
      %dma_wait3A_490 = arith.constant 0 : i32
      %dma_wait3A_491 = arith.constant 0 : i32
      %dma_wait3A_492 = tpu.memref_slice %arg2[%dma_wait3A_490, %dma_wait3A_491] : memref<100000x32xf32, #tpu.memory_space<hbm>> -> memref<100000x32xf32, #tpu.memory_space<hbm>>
      tpu.wait_indirect_dma semaphore(%arg10 : memref<!tpu.dma_semaphore, #tpu.memory_space<semaphore_mem>>) src(%dma_wait3A_492 : memref<100000x32xf32, #tpu.memory_space<hbm>>) dst(%dma_wait3A_486 : memref<128x32xf32, #tpu.memory_space<vmem>>)
      %dma_wait3A_493 = arith.constant 1 : i32
      %dma_wait3A_494 = arith.constant 1 : i32
      %dma_wait3A_495 = arith.constant 128 : i32
      %dma_wait3A_496 = arith.constant 0 : i32
      %dma_wait3A_497 = tpu.memref_slice %arg6[%dma_wait3A_494, %dma_wait3A_495, %dma_wait3A_496] : memref<2x1280x32xf32, #tpu.memory_space<vmem>> -> memref<1x128x32xf32, #tpu.memory_space<vmem>>
      %dma_wait3A_498 = tpu.memref_squeeze %dma_wait3A_497 : memref<1x128x32xf32, #tpu.memory_space<vmem>> -> memref<128x32xf32, #tpu.memory_space<vmem>>
      %dma_wait3A_499 = arith.constant 128 : i32
      %dma_wait3A_500 = tpu.memref_slice %arg5[%dma_wait3A_493, %dma_wait3A_499] : memref<2x1280xi32, #tpu.memory_space<vmem>> -> memref<1x128xi32, #tpu.memory_space<vmem>>
      %dma_wait3A_501 = tpu.memref_squeeze %dma_wait3A_500 : memref<1x128xi32, #tpu.memory_space<vmem>> -> memref<128xi32, #tpu.memory_space<vmem>>
      %dma_wait3A_502 = arith.constant 0 : i32
      %dma_wait3A_503 = arith.constant 0 : i32
      %dma_wait3A_504 = tpu.memref_slice %arg2[%dma_wait3A_502, %dma_wait3A_503] : memref<100000x32xf32, #tpu.memory_space<hbm>> -> memref<100000x32xf32, #tpu.memory_space<hbm>>
      tpu.wait_indirect_dma semaphore(%arg10 : memref<!tpu.dma_semaphore, #tpu.memory_space<semaphore_mem>>) src(%dma_wait3A_504 : memref<100000x32xf32, #tpu.memory_space<hbm>>) dst(%dma_wait3A_498 : memref<128x32xf32, #tpu.memory_space<vmem>>)
      %dma_wait3A_505 = arith.constant 1 : i32
      %dma_wait3A_506 = arith.constant 1 : i32
      %dma_wait3A_507 = arith.constant 256 : i32
      %dma_wait3A_508 = arith.constant 0 : i32
      %dma_wait3A_509 = tpu.memref_slice %arg6[%dma_wait3A_506, %dma_wait3A_507, %dma_wait3A_508] : memref<2x1280x32xf32, #tpu.memory_space<vmem>> -> memref<1x128x32xf32, #tpu.memory_space<vmem>>
      %dma_wait3A_510 = tpu.memref_squeeze %dma_wait3A_509 : memref<1x128x32xf32, #tpu.memory_space<vmem>> -> memref<128x32xf32, #tpu.memory_space<vmem>>
      %dma_wait3A_511 = arith.constant 256 : i32
      %dma_wait3A_512 = tpu.memref_slice %arg5[%dma_wait3A_505, %dma_wait3A_511] : memref<2x1280xi32, #tpu.memory_space<vmem>> -> memref<1x128xi32, #tpu.memory_space<vmem>>
      %dma_wait3A_513 = tpu.memref_squeeze %dma_wait3A_512 : memref<1x128xi32, #tpu.memory_space<vmem>> -> memref<128xi32, #tpu.memory_space<vmem>>
      %dma_wait3A_514 = arith.constant 0 : i32
      %dma_wait3A_515 = arith.constant 0 : i32
      %dma_wait3A_516 = tpu.memref_slice %arg2[%dma_wait3A_514, %dma_wait3A_515] : memref<100000x32xf32, #tpu.memory_space<hbm>> -> memref<100000x32xf32, #tpu.memory_space<hbm>>
      tpu.wait_indirect_dma semaphore(%arg10 : memref<!tpu.dma_semaphore, #tpu.memory_space<semaphore_mem>>) src(%dma_wait3A_516 : memref<100000x32xf32, #tpu.memory_space<hbm>>) dst(%dma_wait3A_510 : memref<128x32xf32, #tpu.memory_space<vmem>>)
      %dma_wait3A_517 = arith.constant 1 : i32
      %dma_wait3A_518 = arith.constant 1 : i32
      %dma_wait3A_519 = arith.constant 384 : i32
      %dma_wait3A_520 = arith.constant 0 : i32
      %dma_wait3A_521 = tpu.memref_slice %arg6[%dma_wait3A_518, %dma_wait3A_519, %dma_wait3A_520] : memref<2x1280x32xf32, #tpu.memory_space<vmem>> -> memref<1x128x32xf32, #tpu.memory_space<vmem>>
      %dma_wait3A_522 = tpu.memref_squeeze %dma_wait3A_521 : memref<1x128x32xf32, #tpu.memory_space<vmem>> -> memref<128x32xf32, #tpu.memory_space<vmem>>
      %dma_wait3A_523 = arith.constant 384 : i32
      %dma_wait3A_524 = tpu.memref_slice %arg5[%dma_wait3A_517, %dma_wait3A_523] : memref<2x1280xi32, #tpu.memory_space<vmem>> -> memref<1x128xi32, #tpu.memory_space<vmem>>
      %dma_wait3A_525 = tpu.memref_squeeze %dma_wait3A_524 : memref<1x128xi32, #tpu.memory_space<vmem>> -> memref<128xi32, #tpu.memory_space<vmem>>
      %dma_wait3A_526 = arith.constant 0 : i32
      %dma_wait3A_527 = arith.constant 0 : i32
      %dma_wait3A_528 = tpu.memref_slice %arg2[%dma_wait3A_526, %dma_wait3A_527] : memref<100000x32xf32, #tpu.memory_space<hbm>> -> memref<100000x32xf32, #tpu.memory_space<hbm>>
      tpu.wait_indirect_dma semaphore(%arg10 : memref<!tpu.dma_semaphore, #tpu.memory_space<semaphore_mem>>) src(%dma_wait3A_528 : memref<100000x32xf32, #tpu.memory_space<hbm>>) dst(%dma_wait3A_522 : memref<128x32xf32, #tpu.memory_space<vmem>>)
      %dma_wait3A_529 = arith.constant 1 : i32
      %dma_wait3A_530 = arith.constant 1 : i32
      %dma_wait3A_531 = arith.constant 512 : i32
      %dma_wait3A_532 = arith.constant 0 : i32
      %dma_wait3A_533 = tpu.memref_slice %arg6[%dma_wait3A_530, %dma_wait3A_531, %dma_wait3A_532] : memref<2x1280x32xf32, #tpu.memory_space<vmem>> -> memref<1x128x32xf32, #tpu.memory_space<vmem>>
      %dma_wait3A_534 = tpu.memref_squeeze %dma_wait3A_533 : memref<1x128x32xf32, #tpu.memory_space<vmem>> -> memref<128x32xf32, #tpu.memory_space<vmem>>
      %dma_wait3A_535 = arith.constant 512 : i32
      %dma_wait3A_536 = tpu.memref_slice %arg5[%dma_wait3A_529, %dma_wait3A_535] : memref<2x1280xi32, #tpu.memory_space<vmem>> -> memref<1x128xi32, #tpu.memory_space<vmem>>
      %dma_wait3A_537 = tpu.memref_squeeze %dma_wait3A_536 : memref<1x128xi32, #tpu.memory_space<vmem>> -> memref<128xi32, #tpu.memory_space<vmem>>
      %dma_wait3A_538 = arith.constant 0 : i32
      %dma_wait3A_539 = arith.constant 0 : i32
      %dma_wait3A_540 = tpu.memref_slice %arg2[%dma_wait3A_538, %dma_wait3A_539] : memref<100000x32xf32, #tpu.memory_space<hbm>> -> memref<100000x32xf32, #tpu.memory_space<hbm>>
      tpu.wait_indirect_dma semaphore(%arg10 : memref<!tpu.dma_semaphore, #tpu.memory_space<semaphore_mem>>) src(%dma_wait3A_540 : memref<100000x32xf32, #tpu.memory_space<hbm>>) dst(%dma_wait3A_534 : memref<128x32xf32, #tpu.memory_space<vmem>>)
      %dma_wait3A_541 = arith.constant 1 : i32
      %dma_wait3A_542 = arith.constant 1 : i32
      %dma_wait3A_543 = arith.constant 640 : i32
      %dma_wait3A_544 = arith.constant 0 : i32
      %dma_wait3A_545 = tpu.memref_slice %arg6[%dma_wait3A_542, %dma_wait3A_543, %dma_wait3A_544] : memref<2x1280x32xf32, #tpu.memory_space<vmem>> -> memref<1x128x32xf32, #tpu.memory_space<vmem>>
      %dma_wait3A_546 = tpu.memref_squeeze %dma_wait3A_545 : memref<1x128x32xf32, #tpu.memory_space<vmem>> -> memref<128x32xf32, #tpu.memory_space<vmem>>
      %dma_wait3A_547 = arith.constant 640 : i32
      %dma_wait3A_548 = tpu.memref_slice %arg5[%dma_wait3A_541, %dma_wait3A_547] : memref<2x1280xi32, #tpu.memory_space<vmem>> -> memref<1x128xi32, #tpu.memory_space<vmem>>
      %dma_wait3A_549 = tpu.memref_squeeze %dma_wait3A_548 : memref<1x128xi32, #tpu.memory_space<vmem>> -> memref<128xi32, #tpu.memory_space<vmem>>
      %dma_wait3A_550 = arith.constant 0 : i32
      %dma_wait3A_551 = arith.constant 0 : i32
      %dma_wait3A_552 = tpu.memref_slice %arg2[%dma_wait3A_550, %dma_wait3A_551] : memref<100000x32xf32, #tpu.memory_space<hbm>> -> memref<100000x32xf32, #tpu.memory_space<hbm>>
      tpu.wait_indirect_dma semaphore(%arg10 : memref<!tpu.dma_semaphore, #tpu.memory_space<semaphore_mem>>) src(%dma_wait3A_552 : memref<100000x32xf32, #tpu.memory_space<hbm>>) dst(%dma_wait3A_546 : memref<128x32xf32, #tpu.memory_space<vmem>>)
      %dma_wait3A_553 = arith.constant 1 : i32
      %dma_wait3A_554 = arith.constant 1 : i32
      %dma_wait3A_555 = arith.constant 768 : i32
      %dma_wait3A_556 = arith.constant 0 : i32
      %dma_wait3A_557 = tpu.memref_slice %arg6[%dma_wait3A_554, %dma_wait3A_555, %dma_wait3A_556] : memref<2x1280x32xf32, #tpu.memory_space<vmem>> -> memref<1x128x32xf32, #tpu.memory_space<vmem>>
      %dma_wait3A_558 = tpu.memref_squeeze %dma_wait3A_557 : memref<1x128x32xf32, #tpu.memory_space<vmem>> -> memref<128x32xf32, #tpu.memory_space<vmem>>
      %dma_wait3A_559 = arith.constant 768 : i32
      %dma_wait3A_560 = tpu.memref_slice %arg5[%dma_wait3A_553, %dma_wait3A_559] : memref<2x1280xi32, #tpu.memory_space<vmem>> -> memref<1x128xi32, #tpu.memory_space<vmem>>
      %dma_wait3A_561 = tpu.memref_squeeze %dma_wait3A_560 : memref<1x128xi32, #tpu.memory_space<vmem>> -> memref<128xi32, #tpu.memory_space<vmem>>
      %dma_wait3A_562 = arith.constant 0 : i32
      %dma_wait3A_563 = arith.constant 0 : i32
      %dma_wait3A_564 = tpu.memref_slice %arg2[%dma_wait3A_562, %dma_wait3A_563] : memref<100000x32xf32, #tpu.memory_space<hbm>> -> memref<100000x32xf32, #tpu.memory_space<hbm>>
      tpu.wait_indirect_dma semaphore(%arg10 : memref<!tpu.dma_semaphore, #tpu.memory_space<semaphore_mem>>) src(%dma_wait3A_564 : memref<100000x32xf32, #tpu.memory_space<hbm>>) dst(%dma_wait3A_558 : memref<128x32xf32, #tpu.memory_space<vmem>>)
      %dma_wait3A_565 = arith.constant 1 : i32
      %dma_wait3A_566 = arith.constant 1 : i32
      %dma_wait3A_567 = arith.constant 896 : i32
      %dma_wait3A_568 = arith.constant 0 : i32
      %dma_wait3A_569 = tpu.memref_slice %arg6[%dma_wait3A_566, %dma_wait3A_567, %dma_wait3A_568] : memref<2x1280x32xf32, #tpu.memory_space<vmem>> -> memref<1x128x32xf32, #tpu.memory_space<vmem>>
      %dma_wait3A_570 = tpu.memref_squeeze %dma_wait3A_569 : memref<1x128x32xf32, #tpu.memory_space<vmem>> -> memref<128x32xf32, #tpu.memory_space<vmem>>
      %dma_wait3A_571 = arith.constant 896 : i32
      %dma_wait3A_572 = tpu.memref_slice %arg5[%dma_wait3A_565, %dma_wait3A_571] : memref<2x1280xi32, #tpu.memory_space<vmem>> -> memref<1x128xi32, #tpu.memory_space<vmem>>
      %dma_wait3A_573 = tpu.memref_squeeze %dma_wait3A_572 : memref<1x128xi32, #tpu.memory_space<vmem>> -> memref<128xi32, #tpu.memory_space<vmem>>
      %dma_wait3A_574 = arith.constant 0 : i32
      %dma_wait3A_575 = arith.constant 0 : i32
      %dma_wait3A_576 = tpu.memref_slice %arg2[%dma_wait3A_574, %dma_wait3A_575] : memref<100000x32xf32, #tpu.memory_space<hbm>> -> memref<100000x32xf32, #tpu.memory_space<hbm>>
      tpu.wait_indirect_dma semaphore(%arg10 : memref<!tpu.dma_semaphore, #tpu.memory_space<semaphore_mem>>) src(%dma_wait3A_576 : memref<100000x32xf32, #tpu.memory_space<hbm>>) dst(%dma_wait3A_570 : memref<128x32xf32, #tpu.memory_space<vmem>>)
      %dma_wait3A_577 = arith.constant 1 : i32
      %dma_wait3A_578 = arith.constant 1 : i32
      %dma_wait3A_579 = arith.constant 1024 : i32
      %dma_wait3A_580 = arith.constant 0 : i32
      %dma_wait3A_581 = tpu.memref_slice %arg6[%dma_wait3A_578, %dma_wait3A_579, %dma_wait3A_580] : memref<2x1280x32xf32, #tpu.memory_space<vmem>> -> memref<1x128x32xf32, #tpu.memory_space<vmem>>
      %dma_wait3A_582 = tpu.memref_squeeze %dma_wait3A_581 : memref<1x128x32xf32, #tpu.memory_space<vmem>> -> memref<128x32xf32, #tpu.memory_space<vmem>>
      %dma_wait3A_583 = arith.constant 1024 : i32
      %dma_wait3A_584 = tpu.memref_slice %arg5[%dma_wait3A_577, %dma_wait3A_583] : memref<2x1280xi32, #tpu.memory_space<vmem>> -> memref<1x128xi32, #tpu.memory_space<vmem>>
      %dma_wait3A_585 = tpu.memref_squeeze %dma_wait3A_584 : memref<1x128xi32, #tpu.memory_space<vmem>> -> memref<128xi32, #tpu.memory_space<vmem>>
      %dma_wait3A_586 = arith.constant 0 : i32
      %dma_wait3A_587 = arith.constant 0 : i32
      %dma_wait3A_588 = tpu.memref_slice %arg2[%dma_wait3A_586, %dma_wait3A_587] : memref<100000x32xf32, #tpu.memory_space<hbm>> -> memref<100000x32xf32, #tpu.memory_space<hbm>>
      tpu.wait_indirect_dma semaphore(%arg10 : memref<!tpu.dma_semaphore, #tpu.memory_space<semaphore_mem>>) src(%dma_wait3A_588 : memref<100000x32xf32, #tpu.memory_space<hbm>>) dst(%dma_wait3A_582 : memref<128x32xf32, #tpu.memory_space<vmem>>)
      %dma_wait3A_589 = arith.constant 1 : i32
      %dma_wait3A_590 = arith.constant 1 : i32
      %dma_wait3A_591 = arith.constant 1152 : i32
      %dma_wait3A_592 = arith.constant 0 : i32
      %dma_wait3A_593 = tpu.memref_slice %arg6[%dma_wait3A_590, %dma_wait3A_591, %dma_wait3A_592] : memref<2x1280x32xf32, #tpu.memory_space<vmem>> -> memref<1x128x32xf32, #tpu.memory_space<vmem>>
      %dma_wait3A_594 = tpu.memref_squeeze %dma_wait3A_593 : memref<1x128x32xf32, #tpu.memory_space<vmem>> -> memref<128x32xf32, #tpu.memory_space<vmem>>
      %dma_wait3A_595 = arith.constant 1152 : i32
      %dma_wait3A_596 = tpu.memref_slice %arg5[%dma_wait3A_589, %dma_wait3A_595] : memref<2x1280xi32, #tpu.memory_space<vmem>> -> memref<1x128xi32, #tpu.memory_space<vmem>>
      %dma_wait3A_597 = tpu.memref_squeeze %dma_wait3A_596 : memref<1x128xi32, #tpu.memory_space<vmem>> -> memref<128xi32, #tpu.memory_space<vmem>>
      %dma_wait3A_598 = arith.constant 0 : i32
      %dma_wait3A_599 = arith.constant 0 : i32
      %dma_wait3A_600 = tpu.memref_slice %arg2[%dma_wait3A_598, %dma_wait3A_599] : memref<100000x32xf32, #tpu.memory_space<hbm>> -> memref<100000x32xf32, #tpu.memory_space<hbm>>
      tpu.wait_indirect_dma semaphore(%arg10 : memref<!tpu.dma_semaphore, #tpu.memory_space<semaphore_mem>>) src(%dma_wait3A_600 : memref<100000x32xf32, #tpu.memory_space<hbm>>) dst(%dma_wait3A_594 : memref<128x32xf32, #tpu.memory_space<vmem>>)
      %lt3A_601 = arith.constant 9 : i32
      %lt3A_602 = arith.cmpi slt, %add3A_61, %lt3A_601 : i32
      %convert_element_type3A_603 = arith.extui %lt3A_602 : i1 to i32
      %cond3A_604 = arith.constant 0 : i32
      %cond3A_605 = arith.cmpi ne, %convert_element_type3A_603, %cond3A_604 : i32
      scf.if %cond3A_605 {
        %add3A_622 = arith.constant 2 : i32
        %add3A_623 = arith.addi %add3A_343, %add3A_622 : i32
        %mul3A_624 = arith.constant 1280 : i32
        %mul3A_625 = arith.muli %add3A_623, %mul3A_624 : i32
        %add3A_626 = arith.addi %mul3A_2, %mul3A_625 : i32
        %dma_start3A_627 = arith.constant 1 : i32
        %dma_start3A_628 = arith.constant 0 : i32
        %dma_start3A_629 = tpu.memref_slice %arg5[%dma_start3A_627, %dma_start3A_628] : memref<2x1280xi32, #tpu.memory_space<vmem>> -> memref<1x1280xi32, #tpu.memory_space<vmem>>
        %dma_start3A_630 = tpu.memref_squeeze %dma_start3A_629 : memref<1x1280xi32, #tpu.memory_space<vmem>> -> memref<1280xi32, #tpu.memory_space<vmem>>
        %dma_start3A_631 = tpu.memref_slice %arg3[%add3A_626] : memref<819200xi32, #tpu.memory_space<hbm>> -> memref<1280xi32, #tpu.memory_space<hbm>>
        %dma_start3A_632 = arith.constant 0 : i32
        %dma_start3A_633 = tpu.memref_slice %arg5[%dma_start3A_627, %dma_start3A_632] : memref<2x1280xi32, #tpu.memory_space<vmem>> -> memref<1x1280xi32, #tpu.memory_space<vmem>>
        %dma_start3A_634 = tpu.memref_squeeze %dma_start3A_633 : memref<1x1280xi32, #tpu.memory_space<vmem>> -> memref<1280xi32, #tpu.memory_space<vmem>>
        %dma_start3A_635 = tpu.memref_slice %arg3[%add3A_626] : memref<819200xi32, #tpu.memory_space<hbm>> -> memref<1280xi32, #tpu.memory_space<hbm>>
        tpu.enqueue_dma source(%dma_start3A_635 : memref<1280xi32, #tpu.memory_space<hbm>>) target(%dma_start3A_634 : memref<1280xi32, #tpu.memory_space<vmem>>) target_semaphore(%arg8 : memref<!tpu.dma_semaphore, #tpu.memory_space<semaphore_mem>>)
      } else {
      }
      %mul3A_606 = arith.constant 1280 : i32
      %mul3A_607 = arith.muli %add3A_343, %mul3A_606 : i32
      %add3A_608 = arith.addi %mul3A_2, %mul3A_607 : i32
      %dma_start3A_609 = arith.constant 1 : i32
      %dma_start3A_610 = arith.constant 0 : i32
      %dma_start3A_611 = arith.constant 0 : i32
      %dma_start3A_612 = tpu.memref_slice %arg6[%dma_start3A_609, %dma_start3A_610, %dma_start3A_611] : memref<2x1280x32xf32, #tpu.memory_space<vmem>> -> memref<1x1280x32xf32, #tpu.memory_space<vmem>>
      %dma_start3A_613 = tpu.memref_squeeze %dma_start3A_612 : memref<1x1280x32xf32, #tpu.memory_space<vmem>> -> memref<1280x32xf32, #tpu.memory_space<vmem>>
      %dma_start3A_614 = arith.constant 0 : i32
      %dma_start3A_615 = tpu.memref_slice %arg4[%add3A_608, %dma_start3A_614] : memref<819200x128xf32, #tpu.memory_space<hbm>> -> memref<1280x32xf32, #tpu.memory_space<hbm>>
      %dma_start3A_616 = arith.constant 0 : i32
      %dma_start3A_617 = tpu.memref_slice %arg4[%add3A_608, %dma_start3A_616] : memref<819200x128xf32, #tpu.memory_space<hbm>> -> memref<1280x32xf32, #tpu.memory_space<hbm>>
      %dma_start3A_618 = arith.constant 0 : i32
      %dma_start3A_619 = arith.constant 0 : i32
      %dma_start3A_620 = tpu.memref_slice %arg6[%dma_start3A_609, %dma_start3A_618, %dma_start3A_619] : memref<2x1280x32xf32, #tpu.memory_space<vmem>> -> memref<1x1280x32xf32, #tpu.memory_space<vmem>>
      %dma_start3A_621 = tpu.memref_squeeze %dma_start3A_620 : memref<1x1280x32xf32, #tpu.memory_space<vmem>> -> memref<1280x32xf32, #tpu.memory_space<vmem>>
      tpu.enqueue_dma source(%dma_start3A_621 : memref<1280x32xf32, #tpu.memory_space<vmem>>) target(%dma_start3A_617 : memref<1280x32xf32, #tpu.memory_space<hbm>>) target_semaphore(%arg12 : memref<!tpu.dma_semaphore, #tpu.memory_space<semaphore_mem>>)
    }
    %scan3A_27 = arith.constant 10 : i32
    %add3A_28 = arith.constant 23040 : i32
    %add3A_29 = arith.addi %mul3A_2, %add3A_28 : i32
    %dma_wait3A = arith.constant 0 : i32
    %dma_wait3A_30 = arith.constant 0 : i32
    %dma_wait3A_31 = arith.constant 0 : i32
    %dma_wait3A_32 = tpu.memref_slice %arg6[%dma_wait3A, %dma_wait3A_30, %dma_wait3A_31] : memref<2x1280x32xf32, #tpu.memory_space<vmem>> -> memref<1x1280x32xf32, #tpu.memory_space<vmem>>
    %dma_wait3A_33 = tpu.memref_squeeze %dma_wait3A_32 : memref<1x1280x32xf32, #tpu.memory_space<vmem>> -> memref<1280x32xf32, #tpu.memory_space<vmem>>
    %dma_wait3A_34 = arith.constant 0 : i32
    %dma_wait3A_35 = tpu.memref_slice %arg4[%add3A_29, %dma_wait3A_34] : memref<819200x128xf32, #tpu.memory_space<hbm>> -> memref<1280x32xf32, #tpu.memory_space<hbm>>
    %dma_wait3A_36 = arith.constant 0 : i32
    %dma_wait3A_37 = tpu.memref_slice %arg4[%add3A_29, %dma_wait3A_36] : memref<819200x128xf32, #tpu.memory_space<hbm>> -> memref<1280x32xf32, #tpu.memory_space<hbm>>
    %dma_wait3A_38 = arith.constant 0 : i32
    %dma_wait3A_39 = arith.constant 0 : i32
    %dma_wait3A_40 = tpu.memref_slice %arg6[%dma_wait3A, %dma_wait3A_38, %dma_wait3A_39] : memref<2x1280x32xf32, #tpu.memory_space<vmem>> -> memref<1x1280x32xf32, #tpu.memory_space<vmem>>
    %dma_wait3A_41 = tpu.memref_squeeze %dma_wait3A_40 : memref<1x1280x32xf32, #tpu.memory_space<vmem>> -> memref<1280x32xf32, #tpu.memory_space<vmem>>
    tpu.wait_dma2 semaphore(%arg11 : memref<!tpu.dma_semaphore, #tpu.memory_space<semaphore_mem>>) src(%dma_wait3A_41 : memref<1280x32xf32, #tpu.memory_space<vmem>>) dst(%dma_wait3A_37 : memref<1280x32xf32, #tpu.memory_space<hbm>>)
    %add3A_42 = arith.constant 24320 : i32
    %add3A_43 = arith.addi %mul3A_2, %add3A_42 : i32
    %dma_wait3A_44 = arith.constant 1 : i32
    %dma_wait3A_45 = arith.constant 0 : i32
    %dma_wait3A_46 = arith.constant 0 : i32
    %dma_wait3A_47 = tpu.memref_slice %arg6[%dma_wait3A_44, %dma_wait3A_45, %dma_wait3A_46] : memref<2x1280x32xf32, #tpu.memory_space<vmem>> -> memref<1x1280x32xf32, #tpu.memory_space<vmem>>
    %dma_wait3A_48 = tpu.memref_squeeze %dma_wait3A_47 : memref<1x1280x32xf32, #tpu.memory_space<vmem>> -> memref<1280x32xf32, #tpu.memory_space<vmem>>
    %dma_wait3A_49 = arith.constant 0 : i32
    %dma_wait3A_50 = tpu.memref_slice %arg4[%add3A_43, %dma_wait3A_49] : memref<819200x128xf32, #tpu.memory_space<hbm>> -> memref<1280x32xf32, #tpu.memory_space<hbm>>
    %dma_wait3A_51 = arith.constant 0 : i32
    %dma_wait3A_52 = tpu.memref_slice %arg4[%add3A_43, %dma_wait3A_51] : memref<819200x128xf32, #tpu.memory_space<hbm>> -> memref<1280x32xf32, #tpu.memory_space<hbm>>
    %dma_wait3A_53 = arith.constant 0 : i32
    %dma_wait3A_54 = arith.constant 0 : i32
    %dma_wait3A_55 = tpu.memref_slice %arg6[%dma_wait3A_44, %dma_wait3A_53, %dma_wait3A_54] : memref<2x1280x32xf32, #tpu.memory_space<vmem>> -> memref<1x1280x32xf32, #tpu.memory_space<vmem>>
    %dma_wait3A_56 = tpu.memref_squeeze %dma_wait3A_55 : memref<1x1280x32xf32, #tpu.memory_space<vmem>> -> memref<1280x32xf32, #tpu.memory_space<vmem>>
    tpu.wait_dma2 semaphore(%arg12 : memref<!tpu.dma_semaphore, #tpu.memory_space<semaphore_mem>>) src(%dma_wait3A_56 : memref<1280x32xf32, #tpu.memory_space<vmem>>) dst(%dma_wait3A_52 : memref<1280x32xf32, #tpu.memory_space<hbm>>)
    return
  }
}

module attributes {stable_mosaic.version = 14 : i64} {
  func.func @_tab_body(%arg0: i32, %arg1: memref<128x128xf32, #tpu.memory_space<vmem>>, %arg2: memref<1000x128xf32, #tpu.memory_space<vmem>>, %arg3: memref<1000x128xf32, #tpu.memory_space<vmem>>) attributes {dimension_semantics = [#tpu.dimension_semantics<arbitrary>], iteration_bounds = array<i64: 25>, scalar_prefetch = 0 : i64, scratch_operands = 0 : i64, tpu.core_type = #tpu.core_type<tc>, window_params = [{pipeline_mode = #tpu.pipeline_mode<synchronous>, transform_indices = @transform_0, window_bounds = array<i64: 128, 128>}, {transform_indices = @transform_1, window_bounds = array<i64: 1000, 128>}, {transform_indices = @transform_2, window_bounds = array<i64: 1000, 128>}]} {
    %get3A = arith.constant 0 : index
    %get3A_0 = arith.constant 0 : index
    %get3A_1 = vector.load %arg2[%get3A, %get3A_0] : memref<1000x128xf32, #tpu.memory_space<vmem>>, vector<1000x128xf32>
    %mul3A = arith.mulf %get3A_1, %get3A_1 : vector<1000x128xf32>
    %get3A_2 = arith.constant 0 : index
    %get3A_3 = arith.constant 0 : index
    %get3A_4 = vector.load %arg1[%get3A_2, %get3A_3] : memref<128x128xf32, #tpu.memory_space<vmem>>, vector<128x128xf32>
    %dot_general3A = arith.constant dense<0.000000e+00> : vector<1000x128xf32>
    %dot_general3A_5 = tpu.matmul %mul3A, %get3A_4, %dot_general3A {dimension_numbers = #tpu.dot_dimension_numbers<[1], [0], [0], [1], [0, 0, 1, 1], [], []>, transpose_lhs_hint = false} : vector<1000x128xf32>, vector<128x128xf32>, vector<1000x128xf32> -> vector<1000x128xf32>
    %max3A = arith.constant 1.000000e-24 : f32
    %max3A_6 = vector.broadcast %max3A : f32 to vector<1000x128xf32>
    %max3A_7 = arith.maximumf %dot_general3A_5, %max3A_6 : vector<1000x128xf32>
    %rsqrt3A = math.rsqrt %max3A_7 : vector<1000x128xf32>
    %mul3A_8 = arith.mulf %get3A_1, %rsqrt3A : vector<1000x128xf32>
    %tanh3A = math.tanh %mul3A_8 : vector<1000x128xf32>
    %swap3A = arith.constant 0 : index
    %swap3A_9 = arith.constant 0 : index
    %swap3A_10 = vector.load %arg3[%swap3A, %swap3A_9] : memref<1000x128xf32, #tpu.memory_space<vmem>>, vector<1000x128xf32>
    tpu.vector_store %arg3[%swap3A, %swap3A_9], %tanh3A {strides = array<i32>} : memref<1000x128xf32, #tpu.memory_space<vmem>>, vector<1000x128xf32>,
    return
  }
  func.func @transform_0(%arg0: i32) -> (i32, i32) {
    %c0_i32 = arith.constant 0 : i32
    %c0_i32_0 = arith.constant 0 : i32
    %c0_i32_1 = arith.constant 0 : i32
    return %c0_i32, %c0_i32_0 : i32, i32
  }
  func.func @transform_1(%arg0: i32) -> (i32, i32) {
    %c0_i32 = arith.constant 0 : i32
    %c0_i32_0 = arith.constant 0 : i32
    return %arg0, %c0_i32 : i32, i32
  }
  func.func @transform_2(%arg0: i32) -> (i32, i32) {
    %c0_i32 = arith.constant 0 : i32
    %c0_i32_0 = arith.constant 0 : i32
    return %arg0, %c0_i32 : i32, i32
  }
}

</mosaic_0001>

<sc_bundles>
// kernel: kernel.4.cloned.1.call-start
scs
__scs_entry_jumppad:
0x0: {  	(pc) =	sbr.rel $0x88, $3  }
0x1: {  	(tag) =	ssettag $0x0;
	lr =	simm.s32 $0x1  }
0x2: {  	[smem:$0x3F9F] =	sst lr;
	_ =	strace $0xD0000000  }
0x3: {  	_ = 	snop  }
0x4: {  	_ = 	snop  }
0x5: {  	_ = 	snop  }
0x6: {  	_ = 	snop  }
0x7: {  	_ = 	snop  }
__scs_overlays_trampoline_lowered:
0x8: {  	[smem:$0x3FAE] =	sst s0  }
0x9: {  	[smem:$0x3FAF] =	sst s1  }
0xa: {  	[smem:$0x3FB0] =	sst s2  }
0xb: {  	[smem:$0x3FB1] =	sst s3  }
0xc: {  	[smem:$0x3FB2] =	sst s4  }
0xd: {  	[smem:$0x3FB3] =	sst s5  }
0xe: {  	[smem:$0x3FB4] =	sst s6  }
0xf: {  	[smem:$0x3FB5] =	sst s7  }
0x10: {  	[smem:$0x3FB6] =	sst s8  }
0x11: {  	[smem:$0x3FB7] =	sst s9;
	s0 =	simm.s32 @!p0 $0x0  }
0x12: {  	s1 =	sld [smem:$0x3F9D];
	s0 =	simm.s32 @p0 $0x1  }
0x13: {  	[smem:$0x3FB8] =	sst s0;
	s0 =	simm.s32 @!p1 $0x0  }
0x14: {  	s2 =	sld [smem:$0x3F9C];
	s0 =	simm.s32 @p1 $0x1  }
0x15: {  	[smem:$0x3FB9] =	sst s0;
	s0 =	simm.s32 @!p2 $0x0  }
0x16: {  	s3 =	sld [smem:$0x3FDB];
	s0 =	simm.s32 @p2 $0x1  }
0x17: {  	s4 =	simm.s32 $0x1BF5;
	[smem:$0x3FBB] =	sst s0  }
0x18: {  	s0 =	sld [smem:$0x3F9E];
	_ =	swait.ge [sflag:s4], $0x0  }
0x19: {  	s7 =	sld [smem:$0x3F9F]  }
0x1a: {  	s8 =	sadd.s32 $0xFFFFE003, lr  }
0x1b: {  	s9 =	sadd.s32 $0xFFFFFEF7, lr;
	s5 =	simm.s32 $0xFFFFFFFF;
	p2 =	slt.u32 s8, $0xFFFFF086  }
0x1c: {  	p1 =	slt.u32 s9, $0xF7A;
	s5 =	simm.s32 @!p2 $0x0  }
0x1d: {  	s5 =	simm.s32 @p1 $0x1;
	p0 =	seq.s32 s7, s2  }
0x1e: {  	s7 =	smul.u32 @!p0 $0xF7A, s2;
	p2 =	seq.s32 @!p0 s5, $0x0  }
0x1f: {  	s9 =	smul.u32 $0xF7A, s1;
	s8 =	simm.s32 @!p0 $0x1BF5;
	p2 =	por !p2, p0  }
0x20: {  	[sflag:s8] =	ssyncset.s32 @!p0 $0xFFFFF086;
	s6 =	sadd.s32 @!p0 s3, s7;
	s7 =	simm.s32 @!p0 $0x108  }
0x21: {  	s3 =	sadd.s32 s3, s9;
	s6 =	sadd.s32 @!p0 $0x88, s6;
	s7 =	simm.s32 @p2 $0x1082  }
0x22: {  	[simem:s7], [sflag:s8] =	dma.local @!p0 [hbm:s6], $0xF7A  }
0x23: {  	s9 =	sor.u32 $0xD0000000, s2;
	s6 =	simm.s32 $0x108;
	_ =	swait.ge @!p0 [sflag:s8], $0x0  }
0x24: {  	s3 =	sadd.s32 $0x88, s3;
	s6 =	simm.s32 @!p1 $0x1082;
	[sflag:s4] =	ssyncset.s32 $0xFFFFF086  }
0x25: {  	[simem:s6], [sflag:s4] =	dma.local [hbm:s3], $0xF7A  }
0x26: {  	[smem:$0x3F9F] =	sst s1;
	(tag) =	ssettag s2;
	_ =	strace s9  }
0x27: {  	s1 =	sld [smem:$0x3FAF]  }
0x28: {  	s2 =	sld [smem:$0x3FB0]  }
0x29: {  	s4 =	sld [smem:$0x3FB2]  }
0x2a: {  	p0 =	seq.s32 s5, $0x0;
	s5 =	sld [smem:$0x3FB3]  }
0x2b: {  	s6 =	sld [smem:$0x3FB4]  }
0x2c: {  	s7 =	sld [smem:$0x3FB5]  }
0x2d: {  	s3 =	simm.s32 $0x108;
	s8 =	sld [smem:$0x3FB6]  }
0x2e: {  	s3 =	simm.s32 @!p0 $0x1082;
	s9 =	sld [smem:$0x3FB7]  }
0x2f: {  	lr =	sadd.s32 s0, s3;
	s0 =	sld [smem:$0x3FAE]  }
0x30: {  	s3 =	sld [smem:$0x3FB1]  }
0x31: {  	[smem:$0x3FBA] =	sst s10  }
0x32: {  	s10 =	sld [smem:$0x3FB8];
	_ =	sdelay $0x3  }
0x33: {  	p0 =	seq.s32 s10, $0x1;
	s10 =	sld [smem:$0x3FBA];
	_ =	sdelay $0x3  }
0x34: {  	[smem:$0x3FBA] =	sst s10  }
0x35: {  	s10 =	sld [smem:$0x3FB9];
	_ =	sdelay $0x3  }
0x36: {  	p1 =	seq.s32 s10, $0x1;
	s10 =	sld [smem:$0x3FBA];
	_ =	sdelay $0x3  }
0x37: {  	[smem:$0x3FBA] =	sst s10  }
0x38: {  	s10 =	sld [smem:$0x3FBB]  }
0x39: {  	_ = 	snop;
	(pc) =	sbr.ind lr, $3  }
0x3a: {  	_ = 	snop  }
0x3b: {  	_ = 	snop  }
0x3c: {  	p2 =	seq.s32 s10, $0x1;
	s10 =	sld [smem:$0x3FBA]  }
0x3d: {  	_ =	shalt  }
0x3e: {  	_ =	shalt  }
0x3f: {  	_ =	shalt  }
0x40: {  	_ =	shalt  }
0x41: {  	_ =	shalt  }
0x42: {  	_ =	shalt  }
0x43: {  	_ =	shalt  }
0x44: {  	_ =	shalt  }
0x45: {  	_ =	shalt  }
0x46: {  	_ =	shalt  }
0x47: {  	_ =	shalt  }
0x48: {  	_ =	shalt  }
0x49: {  	_ =	shalt  }
0x4a: {  	_ =	shalt  }
0x4b: {  	_ =	shalt  }
0x4c: {  	_ =	shalt  }
0x4d: {  	_ =	shalt  }
0x4e: {  	_ =	shalt  }
0x4f: {  	_ =	shalt  }
0x50: {  	_ =	shalt  }
0x51: {  	_ =	shalt  }
0x52: {  	_ =	shalt  }
0x53: {  	_ =	shalt  }
0x54: {  	_ =	shalt  }
0x55: {  	_ =	shalt  }
0x56: {  	_ =	shalt  }
0x57: {  	_ =	shalt  }
0x58: {  	_ =	shalt  }
0x59: {  	_ =	shalt  }
0x5a: {  	_ =	shalt  }
0x5b: {  	_ =	shalt  }
0x5c: {  	_ =	shalt  }
0x5d: {  	_ =	shalt  }
0x5e: {  	_ =	shalt  }
0x5f: {  	_ =	shalt  }
0x60: {  	_ =	shalt  }
0x61: {  	_ =	shalt  }
0x62: {  	_ =	shalt  }
0x63: {  	_ =	shalt  }
0x64: {  	_ =	shalt  }
0x65: {  	_ =	shalt  }
0x66: {  	_ =	shalt  }
0x67: {  	_ =	shalt  }
0x68: {  	_ =	shalt  }
0x69: {  	_ =	shalt  }
0x6a: {  	_ =	shalt  }
0x6b: {  	_ =	shalt  }
0x6c: {  	_ =	shalt  }
0x6d: {  	_ =	shalt  }
0x6e: {  	_ =	shalt  }
0x6f: {  	_ =	shalt  }
0x70: {  	_ =	shalt  }
0x71: {  	_ =	shalt  }
0x72: {  	_ =	shalt  }
0x73: {  	_ =	shalt  }
0x74: {  	_ =	shalt  }
0x75: {  	_ =	shalt  }
0x76: {  	_ =	shalt  }
0x77: {  	_ =	shalt  }
0x78: {  	_ =	shalt  }
0x79: {  	_ =	shalt  }
0x7a: {  	_ =	shalt  }
0x7b: {  	_ =	shalt  }
0x7c: {  	_ =	shalt  }
0x7d: {  	_ =	shalt  }
0x7e: {  	_ =	shalt  }
0x7f: {  	_ =	shalt  }
0x80: {  	_ =	shalt  }
0x81: {  	_ =	shalt  }
0x82: {  	_ =	shalt  }
0x83: {  	_ =	shalt  }
0x84: {  	_ =	shalt  }
0x85: {  	_ =	shalt  }
0x86: {  	_ =	shalt  }
0x87: {  	_ =	shalt  }
.Lfunc_end0:
.L_simem_size_0:
called_computation.1_lowered:
.L_overlay_start_0:
0x88: {  	s2 =	sld [smem:$0x3FD9]  }
0x89: {  	s3 =	sld [smem:$0x3FFE];
	_ =	sdelay $0x1  }
0x8a: {  	s1 =	srdreg.scid  }
0x8b: {  	s0 =	sand.u32 $0x1, s1  }
0x8c: {  	s17 =	sshll.u32 s0, $0xA;
	s2 =	sadd.s32 s3, s2  }
0x8d: {  	s2 =	sadd.s32 s2, s17  }
0x8e: {  	[smem:$0x3FC6] =	sst s2  }
0x8f: {  	_ = 	snop  }
0x90: {  	s2 =	sld [smem:$0x3FC9]  }
0x91: {  	s18 =	sld [smem:$0x3FD0];
	(tm) =	ssettm $0x1  }
0x92: {  	s4 =	sld [smem:$0x3FFB];
	_ =	sdelay $0x3  }
0x93: {  	_ =	strace s4  }
0x94: {  	s4 =	sld [smem:$0x3FFC];
	_ =	sdelay $0x3  }
0x95: {  	_ =	strace s4  }
0x96: {  	s4 =	sld [smem:$0x3FFD];
	_ =	sdelay $0x3  }
0x97: {  	_ =	strace s4  }
0x98: {  	_ =	strace $0x8FFFFFFF  }
0x99: {  	s19 =	sld [smem:$0x3FDB];
	_ =	sdelay $0x1  }
0x9a: {  	s5 =	simm.s32 $_scs_section_size  }
0x9b: {  	s6 =	simm.s32 $_size__tile_overlayer_lowered;
	s7 =	simm.s32 $_tile_overlayer_lowered  }
0x9c: {  	s22 =	simm.s32 $0x1BFF;
	s21 =	sshll.u32 s7, $0x1;
	s4 =	sadd.s32 s5, s19  }
0x9d: {  	s8 =	simm.s32 $0x0;
	s20 =	sshll.u32 s6, $0x1;
	s6 =	sadd.s32 s21, s4  }
0x9e: {  	[timem:s8], [sflag:s22] =	dma.local [hbm:s6], s20  }
0x9f: {  	_ =	swait.ge [sflag:s22], s20  }
0xa0: {  	s5 =	ssub.s32 $0x0, s20;
	[sflag:s22] =	ssyncset.done $0x0  }
0xa1: {  	[sflag:s22] =	ssyncadd.s32 s5;
	_ =	sdelay $0x1  }
0xa2: {  	s23 =	simm.s32 $0x1B8B  }
0xa3: {  	_ =	swait.ge [sflag:s23], $0x1  }
0xa4: {  	[sflag:s23] =	ssyncset.done $0x0  }
0xa5: {  	s25 =	simm.s32 $0x1B8E;
	s24 =	sld [smem:$0x3FFE];
	[sflag:s23] =	ssyncadd.s32 $0xFFFFFFFF  }
0xa6: {  	s26 =	simm.s32 $execute0_lowered;
	[smem:$0x3FD2] =	sst s25  }
0xa7: {  	s6 =	sshll.u32 s26, $0x1;
	_ =	strace $0x80000046;
	[dreg:$0x1] =	wrdreg $0xFFFFFFFF  }
0xa8: {  	s28 =	simm.s32 $_size_execute0_lowered;
	s4 =	sadd.s32 s4, s6;
	[dreg:$0x0] =	wrdreg $0x0  }
0xa9: {  	s6 =	sshll.u32 s28, $0x1;
	[dreg:$0x2] =	wrdreg s4  }
0xaa: {  	[dreg:$0x3] =	wrdreg s6  }
0xab: {  	[dreg:$0x4] =	wrdreg $0xC0  }
0xac: {  	_ =	task [dreg:s8], $0x5FFFF  }
0xad: {  	[dreg:$0x1] =	wrdreg $0xFFFFFFFF  }
0xae: {  	[dreg:$0x0] =	wrdreg $0x60  }
0xaf: {  	[dreg:$0x2] =	wrdreg s18  }
0xb0: {  	[dreg:$0x3] =	wrdreg s2  }
0xb1: {  	[dreg:$0x4] =	wrdreg s24  }
0xb2: {  	[dreg:$0x5] =	wrdreg $0x9  }
0xb3: {  	_ =	task.clear_ibuf [dreg:s8], $0x6FFFF;
	_ =	strace $0x90000046  }
0xb4: {  	s29 =	simm.s32 $0x9;
	_ =	strace $0x80000048  }
0xb5: {  	_ =	swait.ge [sflag:s29], $0x1  }
0xb6: {  	[sflag:s29] =	ssyncadd.s32 $0xFFFFFFFF  }
0xb7: {  	_ =	strace $0x90000048  }
0xb8: {  	_ =	sfence  }
0xb9: {  	s30 =	sld [smem:$0x0];
	_ =	sdelay $0x2  }
0xba: {  	s31 =	sshll.u32 s1, $0xD;
	s1 =	sshrl.u32 s1, $0x2  }
0xbb: {  	s3 =	sand.u32 $0x4000, s31;
	s1 =	sadd.s32 s1, s30  }
0xbc: {  	s0 =	sor.u32 s3, s0;
	s1 =	sshll.u32 s1, $0x11  }
0xbd: {  	s0 =	sor.u32 s1, s0  }
0xbe: {  	s0 =	sadd.s32 $0x8F2B, s0  }
0xbf: {  	[sflag:s0] =	ssyncadd.remote.s32 $0x1  }
0xc0: {  	_ =	sfence.sel $0xFFFF  }
0xc1: {  	[dreg:$0x0] =	wrdreg $0xFFFFFFFF;
	(pc) =	sbr.abs _section_cstart, $3  }
0xc2: {  	[dreg:$0x1] =	wrdreg $0xFFFFFFFF  }
0xc3: {  	_ =	task.clear_ibuf [dreg:s8], $0x2FFFF;
	_ =	strace $0x9FFFFFFF  }
0xc4: {  	(tm) =	ssettm $0x7FFFFFFF  }
0xc5: {  	_ =	shalt  }
tec
execute0_lowered:
.L_overlay_start_1:
0x0: {  	(tag) =	ssettag $0x1  }
0x1: {  	s2 =	rddreg [dreg:$0x0]  }
0x2: {  	s28 =	rddreg [dreg:$0x1]  }
0x3: {  	s6 =	rddreg [dreg:$0x2];
	s4 =	simm.s32 $0x0  }
0x4: {  	s18 =	simm.s32 $0x1A00;
	[smem:$0x7FF] =	sst s4  }
0x5: {  	s19 =	simm.s32 $0x100;
	_ =	strace $0x80000047;
	[dreg:$0x6] =	wrdreg s18  }
0x6: {  	s20 =	simm.s32 $0x2A00;
	[dreg:$0x7] =	wrdreg s19  }
0x7: {  	s21 =	simm.s32 $0x180;
	[dreg:$0x8] =	wrdreg s20  }
0x8: {  	s22 =	simm.s32 $0x3A00;
	[dreg:$0x9] =	wrdreg s21  }
0x9: {  	s23 =	simm.s32 $0x200;
	[dreg:$0xa] =	wrdreg s22  }
0xa: {  	s3 =	stileid.u32;
	s25 =	simm.s32 $0x4A00;
	[dreg:$0xb] =	wrdreg s23  }
0xb: {  	s29 =	simm.s32 $0x280;
	s15 =	smul.u32 $0xC800, s3;
	[dreg:$0xc] =	wrdreg s25  }
0xc: {  	s31 =	simm.s32 $0x5A00;
	s7 =	smul.u32 $0xC8000, s3;
	[dreg:$0xd] =	wrdreg s29  }
0xd: {  	s30 =	sshll.u32 s3, $0x1;
	s3 =	simm.s32 $0x300;
	[dreg:$0xe] =	wrdreg s31  }
0xe: {  	s9 =	simm.s32 $0x380;
	[dreg:$0xf] =	wrdreg s3  }
0xf: {  	s0 =	srdreg.scid;
	s10 =	simm.s32 $0x7A00;
	[dreg:$0x11] =	wrdreg s9  }
0x10: {  	s12 =	simm.s32 $0x400;
	s13 =	simm.s32 $0x8A00;
	[dreg:$0x12] =	wrdreg s10  }
0x11: {  	s1 =	sand.u32 $0x1, s0;
	s16 =	sadd.s32 $0xA00, s6;
	[dreg:$0x13] =	wrdreg s12  }
0x12: {  	s5 =	smul.u32 $0x6400, s1;
	[dreg:$0x14] =	wrdreg s13;
	s18 =	simm.s32 $0x580  }
0x13: {  	s8 =	smul.u32 $0x64000, s1;
	s20 =	simm.s32 $0xBA00;
	[dreg:$0x17] =	wrdreg s18  }
0x14: {  	s24 =	ssub.s32 $0x2, s1;
	s21 =	simm.s32 $0x600;
	[dreg:$0x18] =	wrdreg s20  }
0x15: {  	s1 =	sor.u32 s1, s30;
	s22 =	simm.s32 $0xCA00;
	[dreg:$0x19] =	wrdreg s21  }
0x16: {  	s23 =	simm.s32 $0x680;
	s12 =	simm.s32 $0x80;
	[dreg:$0x1a] =	wrdreg s22  }
0x17: {  	s13 =	simm.s32 $0xA00;
	s25 =	simm.s32 $0x700;
	[dreg:$0x1b] =	wrdreg s23  }
0x18: {  	s29 =	simm.s32 $0x780;
	s30 =	simm.s32 $0xFA00;
	[dreg:$0x1d] =	wrdreg s25  }
0x19: {  	s31 =	simm.s32 $0x800;
	s26 =	sshrl.u32 s24, $0x1;
	[dreg:$0x1f] =	wrdreg s29  }
0x1a: {  	s1 =	smul.u32 $0x6400, s1;
	s18 =	simm.s32 $0x500;
	[smem:$0x7FC] =	sst s30  }
0x1b: {  	[smem:$0x7FD] =	sst s31;
	s20 =	simm.s32 $0x11A00;
	s21 =	simm.s32 $0x900  }
0x1c: {  	s22 =	simm.s32 $0x12A00;
	s23 =	simm.s32 $0x980;
	s25 =	simm.s32 $0x4  }
0x1d: {  	s0 =	sadd.s32 s5, s15;
	s5 =	sadd.s32 s7, s16;
	s15 =	simm.s32 $0x480  }
0x1e: {  	s17 =	sshll.u32 s0, $0x4;
	s5 =	sadd.s32 s8, s5;
	[dreg:$0x15] =	wrdreg s15  }
0x1f: {  	s8 =	simm.s32 $0x6A00;
	s1 =	sshrl.u32 s1, $0x3;
	[dreg:$0x5] =	wrdreg s5  }
0x20: {  	s15 =	simm.s32 $0x20;
	[dreg:$0x10] =	wrdreg s8;
	s11 =	sadd.s32 s28, s1  }
0x21: {  	s6 =	sadd.s32 s16, s17;
	s17 =	simm.s32 $0x9A00;
	[smem:$0x7F7] =	sst s11  }
0x22: {  	s16 =	sadd.s32 $0xF00, s0;
	s0 =	sadd.s32 $0xA00, s0;
	[dreg:$0x16] =	wrdreg s17  }
0x23: {  	s5 =	simm.s32 $0x10A00;
	s6 =	sadd.s32 $0x5000, s6;
	[smem:$0x7FB] =	sst s0  }
0x24: {  	s3 =	sadd.s32 $0xA0, s11;
	s11 =	simm.s32 $0x1;
	[dreg:$0x4] =	wrdreg s6  }
0x25: {  	s17 =	simm.s32 $0xAA00;
	s6 =	ssub.s32 s24, s26;
	[smem:$0x7F8] =	sst s3  }
0x26: {  	s24 =	simm.s32 $0xDA00;
	s26 =	simm.s32 $0xEA00;
	s3 =	simm.s32 $0x0  }
0x27: {  	s14 =	smax.u32 s6, $0x1;
	s6 =	sshrl.u32 s16, $0x3;
	[dreg:$0x1c] =	wrdreg s24  }
0x28: {  	[dreg:$0x1e] =	wrdreg s26;
	s16 =	simm.s32 $0x2;
	s24 =	simm.s32 $0x13A00  }
0x29: {  	[smem:$0x7F9] =	sst s14;
	s19 =	sadd.s32 s6, s28;
	s14 =	simm.s32 $0x3  }
0x2a: {  	s6 =	simm.s32 $0x880;
	[smem:$0x7FA] =	sst s19;
	s19 =	simm.s32 $0x10A00  }
.LBB2_1:
0x2b: {  	s0 =	sld [smem:$0x7F7];
	_ =	sdelay $0x1  }
0x2c: {  	s26 =	sld [smem:$0x7F8]  }
0x2d: {  	[tilespmem:s4], [sflag:$0x1] =	stream.linear.gather [hbm4b:s0+s4], $0x500, $0x38;
	[tilespmem:$0x14A00] =	vst v63  }
0x2e: {  	[smem:$0x7F6] =	sst s3  }
0x2f: {  	[tilespmem:s18], [sflag:$0x2] =	stream.linear.gather [hbm4b:s26+s4], $0x500, $0x38;
	[tilespmem:$0x14A00] =	vst v63  }
0x30: {  	_ =	swait.ge [sflag:s11], $0x500  }
0x31: {  	p0 =	por $0x1, $0x1;
	[sflag:s11] =	ssyncset.done $0x0  }
0x32: {  	s0 =	simm.s32 @!p0 $0x5;
	[sflag:s11] =	ssyncadd.s32 $0xFFFFFB00  }
0x33: {  	_ =	swait.ge @!p0 [sflag:s0], $0xA000  }
0x34: {  	s1 =	rddreg [dreg:$0x9]  }
0x35: {  	s7 =	rddreg [dreg:$0x14]  }
0x36: {  	s8 =	rddreg [dreg:$0x10]  }
0x37: {  	s30 =	rddreg [dreg:$0x7]  }
0x38: {  	s29 =	rddreg [dreg:$0x6]  }
0x39: {  	s31 =	rddreg [dreg:$0x8]  }
0x3a: {  	[sflag:s0] =	ssyncset.done @!p0 $0x0;
	s3 =	rddreg [dreg:$0xa]  }
0x3b: {  	s9 =	rddreg [dreg:$0xe];
	[sflag:s0] =	ssyncadd.s32 @!p0 $0xFFFF6000  }
0x3c: {  	[tilespmem:s13], [sflag:$0x3] =	stream.indirect.gather [hbm4b:s2+s12], $0x20, s4, s12, $0xb8;
	[tilespmem:$0x14A00] =	vst v63  }
0x3d: {  	s10 =	rddreg [dreg:$0xd]  }
0x3e: {  	[tilespmem:s29], [sflag:$0x3] =	stream.indirect.gather [hbm4b:s2+s12], $0x20, s12, s12, $0xb8;
	[tilespmem:$0x14A00] =	vst v63  }
0x3f: {  	s26 =	rddreg [dreg:$0x11]  }
0x40: {  	[tilespmem:s31], [sflag:$0x3] =	stream.indirect.gather [hbm4b:s2+s12], $0x20, s30, s12, $0xb8;
	[tilespmem:$0x14A00] =	vst v63  }
0x41: {  	s30 =	rddreg [dreg:$0xc]  }
0x42: {  	[tilespmem:s3], [sflag:$0x3] =	stream.indirect.gather [hbm4b:s2+s12], $0x20, s1, s12, $0xb8;
	[tilespmem:$0x14A00] =	vst v63  }
0x43: {  	s31 =	rddreg [dreg:$0xb]  }
0x44: {  	[tilespmem:s30], [sflag:$0x3] =	stream.indirect.gather [hbm4b:s2+s12], $0x20, s31, s12, $0xb8;
	[tilespmem:$0x14A00] =	vst v63  }
0x45: {  	s29 =	rddreg [dreg:$0x13]  }
0x46: {  	[tilespmem:s9], [sflag:$0x3] =	stream.indirect.gather [hbm4b:s2+s12], $0x20, s10, s12, $0xb8;
	[tilespmem:$0x14A00] =	vst v63  }
0x47: {  	s30 =	rddreg [dreg:$0xf]  }
0x48: {  	[tilespmem:s8], [sflag:$0x3] =	stream.indirect.gather [hbm4b:s2+s12], $0x20, s30, s12, $0xb8;
	[tilespmem:$0x14A00] =	vst v63  }
0x49: {  	s31 =	rddreg [dreg:$0x12]  }
0x4a: {  	[tilespmem:s31], [sflag:$0x3] =	stream.indirect.gather [hbm4b:s2+s12], $0x20, s26, s12, $0xb8;
	[tilespmem:$0x14A00] =	vst v63  }
0x4b: {  	s3 =	rddreg [dreg:$0x16]  }
0x4c: {  	[tilespmem:s7], [sflag:$0x3] =	stream.indirect.gather [hbm4b:s2+s12], $0x20, s29, s12, $0xb8;
	[tilespmem:$0x14A00] =	vst v63  }
0x4d: {  	s9 =	rddreg [dreg:$0x15]  }
0x4e: {  	[tilespmem:s3], [sflag:$0x3] =	stream.indirect.gather [hbm4b:s2+s12], $0x20, s9, s12, $0xb8;
	[tilespmem:$0x14A00] =	vst v63  }
0x4f: {  	_ =	swait.ge [sflag:s14], $0x1000  }
0x50: {  	[sflag:s14] =	ssyncset.done $0x0  }
0x51: {  	[sflag:s14] =	ssyncadd.s32 $0xFFFFF000  }
0x52: {  	_ =	swait.ge [sflag:s14], $0x1000  }
0x53: {  	[sflag:s14] =	ssyncset.done $0x0  }
0x54: {  	[sflag:s14] =	ssyncadd.s32 $0xFFFFF000  }
0x55: {  	_ =	swait.ge [sflag:s14], $0x1000  }
0x56: {  	[sflag:s14] =	ssyncset.done $0x0  }
0x57: {  	[sflag:s14] =	ssyncadd.s32 $0xFFFFF000  }
0x58: {  	_ =	swait.ge [sflag:s14], $0x1000  }
0x59: {  	[sflag:s14] =	ssyncset.done $0x0  }
0x5a: {  	[sflag:s14] =	ssyncadd.s32 $0xFFFFF000  }
0x5b: {  	_ =	swait.ge [sflag:s14], $0x1000  }
0x5c: {  	[sflag:s14] =	ssyncset.done $0x0  }
0x5d: {  	[sflag:s14] =	ssyncadd.s32 $0xFFFFF000  }
0x5e: {  	_ =	swait.ge [sflag:s14], $0x1000  }
0x5f: {  	[sflag:s14] =	ssyncset.done $0x0  }
0x60: {  	[sflag:s14] =	ssyncadd.s32 $0xFFFFF000  }
0x61: {  	_ =	swait.ge [sflag:s14], $0x1000  }
0x62: {  	[sflag:s14] =	ssyncset.done $0x0  }
0x63: {  	[sflag:s14] =	ssyncadd.s32 $0xFFFFF000  }
0x64: {  	_ =	swait.ge [sflag:s14], $0x1000  }
0x65: {  	[sflag:s14] =	ssyncset.done $0x0  }
0x66: {  	[sflag:s14] =	ssyncadd.s32 $0xFFFFF000  }
0x67: {  	_ =	swait.ge [sflag:s14], $0x1000  }
0x68: {  	[sflag:s14] =	ssyncset.done $0x0  }
0x69: {  	[sflag:s14] =	ssyncadd.s32 $0xFFFFF000  }
0x6a: {  	_ =	swait.ge [sflag:s14], $0x1000  }
0x6b: {  	s3 =	sld [smem:$0x7FB];
	_ =	sdelay $0x1  }
0x6c: {  	p1 =	por $0x0, $0x0  }
0x6d: {  	s7 =	simm.s32 @!p1 $0x0;
	[sflag:s14] =	ssyncset.done $0x0;
	s0 =	sshrl.u32 @!p1 s3, $0x3  }
0x6e: {  	s10 =	rddreg [dreg:$0x5];
	[sflag:s14] =	ssyncadd.s32 $0xFFFFF000;
	s0 =	sadd.s32 @!p1 s28, s0  }
0x6f: {  	[tilespmem:s7], [sflag:$0x1] =	stream.linear.gather @!p1 [hbm4b:s0+s7], $0x500, $0x38;
	[tilespmem:$0x14A00] =	vst v63  }
0x70: {  	s26 =	sadd.s32 $0x0, s10  }
0x71: {  	[hbm4b:s26+s15] =	stream.strided.scatter [tilespmem:s13], [sflag:$0x5], $0xA000, s12, s15, $0x38;
	[tilespmem:$0x14A00] =	vst v63  }
0x72: {  	_ =	swait.ge [sflag:s16], $0x500  }
0x73: {  	[sflag:s16] =	ssyncset.done $0x0  }
0x74: {  	s0 =	simm.s32 @!p0 $0x6;
	[sflag:s16] =	ssyncadd.s32 $0xFFFFFB00  }
0x75: {  	_ =	swait.ge @!p0 [sflag:s0], $0xA000  }
0x76: {  	s1 =	rddreg [dreg:$0x1f]  }
0x77: {  	s29 =	rddreg [dreg:$0x1a]  }
0x78: {  	s30 =	rddreg [dreg:$0x17]  }
0x79: {  	s9 =	rddreg [dreg:$0x18]  }
0x7a: {  	[sflag:s0] =	ssyncset.done @!p0 $0x0;
	s31 =	rddreg [dreg:$0x19]  }
0x7b: {  	s10 =	rddreg [dreg:$0x1c];
	[sflag:s0] =	ssyncadd.s32 @!p0 $0xFFFF6000  }
0x7c: {  	[tilespmem:s17], [sflag:$0x4] =	stream.indirect.gather [hbm4b:s2+s12], $0x20, s18, s12, $0xb8;
	[tilespmem:$0x14A00] =	vst v63  }
0x7d: {  	s26 =	sld [smem:$0x7FC]  }
0x7e: {  	[tilespmem:s9], [sflag:$0x4] =	stream.indirect.gather [hbm4b:s2+s12], $0x20, s30, s12, $0xb8;
	[tilespmem:$0x14A00] =	vst v63  }
0x7f: {  	s18 =	rddreg [dreg:$0x1e]  }
0x80: {  	[tilespmem:s29], [sflag:$0x4] =	stream.indirect.gather [hbm4b:s2+s12], $0x20, s31, s12, $0xb8;
	[tilespmem:$0x14A00] =	vst v63  }
0x81: {  	s30 =	rddreg [dreg:$0x1b]  }
0x82: {  	[tilespmem:s10], [sflag:$0x4] =	stream.indirect.gather [hbm4b:s2+s12], $0x20, s30, s12, $0xb8;
	[tilespmem:$0x14A00] =	vst v63  }
0x83: {  	s31 =	rddreg [dreg:$0x1d]  }
0x84: {  	[tilespmem:s18], [sflag:$0x4] =	stream.indirect.gather [hbm4b:s2+s12], $0x20, s31, s12, $0xb8;
	[tilespmem:$0x14A00] =	vst v63  }
0x85: {  	s29 =	sld [smem:$0x7FD]  }
0x86: {  	[tilespmem:s26], [sflag:$0x4] =	stream.indirect.gather [hbm4b:s2+s12], $0x20, s1, s12, $0xb8;
	[tilespmem:$0x14A00] =	vst v63  }
0x87: {  	_ = 	snop  }
0x88: {  	[tilespmem:s5], [sflag:$0x4] =	stream.indirect.gather [hbm4b:s2+s12], $0x20, s29, s12, $0xb8;
	[tilespmem:$0x14A00] =	vst v63  }
0x89: {  	_ = 	snop  }
0x8a: {  	[tilespmem:s20], [sflag:$0x4] =	stream.indirect.gather [hbm4b:s2+s12], $0x20, s6, s12, $0xb8;
	[tilespmem:$0x14A00] =	vst v63  }
0x8b: {  	_ = 	snop  }
0x8c: {  	[tilespmem:s22], [sflag:$0x4] =	stream.indirect.gather [hbm4b:s2+s12], $0x20, s21, s12, $0xb8;
	[tilespmem:$0x14A00] =	vst v63  }
0x8d: {  	_ = 	snop  }
0x8e: {  	[tilespmem:s24], [sflag:$0x4] =	stream.indirect.gather [hbm4b:s2+s12], $0x20, s23, s12, $0xb8;
	[tilespmem:$0x14A00] =	vst v63  }
0x8f: {  	_ =	swait.ge [sflag:s25], $0x1000  }
0x90: {  	[sflag:s25] =	ssyncset.done $0x0  }
0x91: {  	[sflag:s25] =	ssyncadd.s32 $0xFFFFF000  }
0x92: {  	_ =	swait.ge [sflag:s25], $0x1000  }
0x93: {  	[sflag:s25] =	ssyncset.done $0x0  }
0x94: {  	[sflag:s25] =	ssyncadd.s32 $0xFFFFF000  }
0x95: {  	_ =	swait.ge [sflag:s25], $0x1000  }
0x96: {  	[sflag:s25] =	ssyncset.done $0x0  }
0x97: {  	[sflag:s25] =	ssyncadd.s32 $0xFFFFF000  }
0x98: {  	_ =	swait.ge [sflag:s25], $0x1000  }
0x99: {  	[sflag:s25] =	ssyncset.done $0x0  }
0x9a: {  	[sflag:s25] =	ssyncadd.s32 $0xFFFFF000  }
0x9b: {  	_ =	swait.ge [sflag:s25], $0x1000  }
0x9c: {  	[sflag:s25] =	ssyncset.done $0x0  }
0x9d: {  	[sflag:s25] =	ssyncadd.s32 $0xFFFFF000  }
0x9e: {  	_ =	swait.ge [sflag:s25], $0x1000  }
0x9f: {  	[sflag:s25] =	ssyncset.done $0x0  }
0xa0: {  	[sflag:s25] =	ssyncadd.s32 $0xFFFFF000  }
0xa1: {  	_ =	swait.ge [sflag:s25], $0x1000  }
0xa2: {  	s31 =	sld [smem:$0x7FA];
	_ =	sdelay $0x1  }
0xa3: {  	s0 =	sadd.s32 $0xA00, s3;
	s30 =	simm.s32 $0x0;
	[sflag:s25] =	ssyncset.done $0x0  }
0xa4: {  	s1 =	simm.s32 $0xA000;
	[sflag:s25] =	ssyncadd.s32 $0xFFFFF000;
	s8 =	smov.u32 s31  }
.LBB2_2:
0xa5: {  	_ =	swait.ge [sflag:s25], $0x1000  }
0xa6: {  	[sflag:s25] =	ssyncset.done $0x0  }
0xa7: {  	[sflag:s25] =	ssyncadd.s32 $0xFFFFF000  }
0xa8: {  	_ =	swait.ge [sflag:s25], $0x1000  }
0xa9: {  	[sflag:s25] =	ssyncset.done $0x0  }
0xaa: {  	[sflag:s25] =	ssyncadd.s32 $0xFFFFF000  }
0xab: {  	_ =	swait.ge [sflag:s25], $0x1000  }
0xac: {  	s18 =	smov.u32 s28;
	[sflag:s25] =	ssyncset.done $0x0  }
0xad: {  	s28 =	simm.s32 @!p1 $0x500;
	s26 =	rddreg [dreg:$0x4];
	[sflag:s25] =	ssyncadd.s32 $0xFFFFF000  }
0xae: {  	[tilespmem:s28], [sflag:$0x2] =	stream.linear.gather @!p1 [hbm4b:s31+s7], $0x500, $0x38;
	[tilespmem:$0x14A00] =	vst v63  }
0xaf: {  	s5 =	smov.u32 s1;
	s26 =	sadd.s32 s30, s26  }
0xb0: {  	[hbm4b:s26+s15] =	stream.strided.scatter [tilespmem:s17], [sflag:$0x6], $0xA000, s12, s15, $0x38;
	[tilespmem:$0x14A00] =	vst v63  }
0xb1: {  	s30 =	smov.u32 s5;
	_ =	swait.ge [sflag:s11], $0x500  }
0xb2: {  	p2 =	seq.s32 s30, $0x0;
	[sflag:s11] =	ssyncset.done $0x0  }
0xb3: {  	s5 =	simm.s32 @!p2 $0x5;
	[sflag:s11] =	ssyncadd.s32 $0xFFFFFB00  }
0xb4: {  	_ =	swait.ge @!p2 [sflag:s5], $0xA000  }
0xb5: {  	s7 =	rddreg [dreg:$0x9]  }
0xb6: {  	s26 =	rddreg [dreg:$0x10]  }
0xb7: {  	s28 =	rddreg [dreg:$0xc]  }
0xb8: {  	s9 =	rddreg [dreg:$0x7]  }
0xb9: {  	s6 =	rddreg [dreg:$0x6]  }
0xba: {  	s29 =	rddreg [dreg:$0xa]  }
0xbb: {  	[sflag:s5] =	ssyncset.done @!p2 $0x0;
	s3 =	rddreg [dreg:$0x8]  }
0xbc: {  	s10 =	rddreg [dreg:$0xe];
	[sflag:s5] =	ssyncadd.s32 @!p2 $0xFFFF6000  }
0xbd: {  	[tilespmem:s13], [sflag:$0x3] =	stream.indirect.gather [hbm4b:s2+s12], $0x20, s4, s12, $0xb8;
	[tilespmem:$0x14A00] =	vst v63  }
0xbe: {  	s5 =	rddreg [dreg:$0x14]  }
0xbf: {  	[tilespmem:s6], [sflag:$0x3] =	stream.indirect.gather [hbm4b:s2+s12], $0x20, s12, s12, $0xb8;
	[tilespmem:$0x14A00] =	vst v63  }
0xc0: {  	s4 =	rddreg [dreg:$0xb]  }
0xc1: {  	[tilespmem:s3], [sflag:$0x3] =	stream.indirect.gather [hbm4b:s2+s12], $0x20, s9, s12, $0xb8;
	[tilespmem:$0x14A00] =	vst v63  }
0xc2: {  	s6 =	rddreg [dreg:$0xd]  }
0xc3: {  	[tilespmem:s29], [sflag:$0x3] =	stream.indirect.gather [hbm4b:s2+s12], $0x20, s7, s12, $0xb8;
	[tilespmem:$0x14A00] =	vst v63  }
0xc4: {  	s3 =	rddreg [dreg:$0xf]  }
0xc5: {  	[tilespmem:s28], [sflag:$0x3] =	stream.indirect.gather [hbm4b:s2+s12], $0x20, s4, s12, $0xb8;
	[tilespmem:$0x14A00] =	vst v63  }
0xc6: {  	s9 =	rddreg [dreg:$0x11]  }
0xc7: {  	[tilespmem:s10], [sflag:$0x3] =	stream.indirect.gather [hbm4b:s2+s12], $0x20, s6, s12, $0xb8;
	[tilespmem:$0x14A00] =	vst v63  }
0xc8: {  	s29 =	rddreg [dreg:$0x12]  }
0xc9: {  	[tilespmem:s26], [sflag:$0x3] =	stream.indirect.gather [hbm4b:s2+s12], $0x20, s3, s12, $0xb8;
	[tilespmem:$0x14A00] =	vst v63  }
0xca: {  	s10 =	rddreg [dreg:$0x13]  }
0xcb: {  	[tilespmem:s29], [sflag:$0x3] =	stream.indirect.gather [hbm4b:s2+s12], $0x20, s9, s12, $0xb8;
	[tilespmem:$0x14A00] =	vst v63  }
0xcc: {  	s26 =	rddreg [dreg:$0x16]  }
0xcd: {  	[tilespmem:s5], [sflag:$0x3] =	stream.indirect.gather [hbm4b:s2+s12], $0x20, s10, s12, $0xb8;
	[tilespmem:$0x14A00] =	vst v63  }
0xce: {  	s29 =	rddreg [dreg:$0x15]  }
0xcf: {  	[tilespmem:s26], [sflag:$0x3] =	stream.indirect.gather [hbm4b:s2+s12], $0x20, s29, s12, $0xb8;
	[tilespmem:$0x14A00] =	vst v63  }
0xd0: {  	_ =	swait.ge [sflag:s14], $0x1000  }
0xd1: {  	[sflag:s14] =	ssyncset.done $0x0  }
0xd2: {  	[sflag:s14] =	ssyncadd.s32 $0xFFFFF000  }
0xd3: {  	_ =	swait.ge [sflag:s14], $0x1000  }
0xd4: {  	[sflag:s14] =	ssyncset.done $0x0  }
0xd5: {  	[sflag:s14] =	ssyncadd.s32 $0xFFFFF000  }
0xd6: {  	_ =	swait.ge [sflag:s14], $0x1000  }
0xd7: {  	[sflag:s14] =	ssyncset.done $0x0  }
0xd8: {  	[sflag:s14] =	ssyncadd.s32 $0xFFFFF000  }
0xd9: {  	_ =	swait.ge [sflag:s14], $0x1000  }
0xda: {  	[sflag:s14] =	ssyncset.done $0x0  }
0xdb: {  	[sflag:s14] =	ssyncadd.s32 $0xFFFFF000  }
0xdc: {  	_ =	swait.ge [sflag:s14], $0x1000  }
0xdd: {  	[sflag:s14] =	ssyncset.done $0x0  }
0xde: {  	[sflag:s14] =	ssyncadd.s32 $0xFFFFF000  }
0xdf: {  	_ =	swait.ge [sflag:s14], $0x1000  }
0xe0: {  	[sflag:s14] =	ssyncset.done $0x0  }
0xe1: {  	[sflag:s14] =	ssyncadd.s32 $0xFFFFF000  }
0xe2: {  	_ =	swait.ge [sflag:s14], $0x1000  }
0xe3: {  	[sflag:s14] =	ssyncset.done $0x0  }
0xe4: {  	[sflag:s14] =	ssyncadd.s32 $0xFFFFF000  }
0xe5: {  	_ =	swait.ge [sflag:s14], $0x1000  }
0xe6: {  	[sflag:s14] =	ssyncset.done $0x0  }
0xe7: {  	[sflag:s14] =	ssyncadd.s32 $0xFFFFF000  }
0xe8: {  	_ =	swait.ge [sflag:s14], $0x1000  }
0xe9: {  	[sflag:s14] =	ssyncset.done $0x0  }
0xea: {  	p1 =	seq.s32 s30, $0x5A000;
	[sflag:s14] =	ssyncadd.s32 $0xFFFFF000  }
0xeb: {  	s7 =	simm.s32 @!p1 $0x0;
	_ =	swait.ge [sflag:s14], $0x1000  }
0xec: {  	s28 =	smov.u32 s18;
	s3 =	sshrl.u32 @!p1 s0, $0x3;
	[sflag:s14] =	ssyncset.done $0x0  }
0xed: {  	s3 =	sadd.s32 @!p1 s28, s3;
	s6 =	rddreg [dreg:$0x5];
	[sflag:s14] =	ssyncadd.s32 $0xFFFFF000  }
0xee: {  	[tilespmem:s7], [sflag:$0x1] =	stream.linear.gather @!p1 [hbm4b:s3+s7], $0x500, $0x38;
	[tilespmem:$0x14A00] =	vst v63  }
0xef: {  	s9 =	sadd.s32 s30, s6  }
0xf0: {  	[hbm4b:s9+s15] =	stream.strided.scatter [tilespmem:s13], [sflag:$0x5], $0xA000, s12, s15, $0x38;
	[tilespmem:$0x14A00] =	vst v63  }
0xf1: {  	_ =	swait.ge [sflag:s16], $0x500  }
0xf2: {  	[sflag:s16] =	ssyncset.done $0x0  }
0xf3: {  	s3 =	simm.s32 @!p2 $0x6;
	[sflag:s16] =	ssyncadd.s32 $0xFFFFFB00  }
0xf4: {  	_ =	swait.ge @!p2 [sflag:s3], $0xA000  }
0xf5: {  	s4 =	rddreg [dreg:$0x1f]  }
0xf6: {  	s5 =	rddreg [dreg:$0x1a]  }
0xf7: {  	s6 =	rddreg [dreg:$0x19]  }
0xf8: {  	s10 =	rddreg [dreg:$0x17]  }
0xf9: {  	[sflag:s3] =	ssyncset.done @!p2 $0x0;
	s29 =	rddreg [dreg:$0x18]  }
0xfa: {  	s18 =	simm.s32 $0x500;
	s26 =	rddreg [dreg:$0x1e];
	[sflag:s3] =	ssyncadd.s32 @!p2 $0xFFFF6000  }
0xfb: {  	[tilespmem:s17], [sflag:$0x4] =	stream.indirect.gather [hbm4b:s2+s12], $0x20, s18, s12, $0xb8;
	[tilespmem:$0x14A00] =	vst v63  }
0xfc: {  	s3 =	rddreg [dreg:$0x1c]  }
0xfd: {  	[tilespmem:s29], [sflag:$0x4] =	stream.indirect.gather [hbm4b:s2+s12], $0x20, s10, s12, $0xb8;
	[tilespmem:$0x14A00] =	vst v63  }
0xfe: {  	s10 =	rddreg [dreg:$0x1b]  }
0xff: {  	[tilespmem:s5], [sflag:$0x4] =	stream.indirect.gather [hbm4b:s2+s12], $0x20, s6, s12, $0xb8;
	[tilespmem:$0x14A00] =	vst v63  }
0x100: {  	s29 =	rddreg [dreg:$0x1d]  }
0x101: {  	[tilespmem:s3], [sflag:$0x4] =	stream.indirect.gather [hbm4b:s2+s12], $0x20, s10, s12, $0xb8;
	[tilespmem:$0x14A00] =	vst v63  }
0x102: {  	s10 =	sld [smem:$0x7FC]  }
0x103: {  	[tilespmem:s26], [sflag:$0x4] =	stream.indirect.gather [hbm4b:s2+s12], $0x20, s29, s12, $0xb8;
	[tilespmem:$0x14A00] =	vst v63  }
0x104: {  	s29 =	sld [smem:$0x7FD]  }
0x105: {  	[tilespmem:s10], [sflag:$0x4] =	stream.indirect.gather [hbm4b:s2+s12], $0x20, s4, s12, $0xb8;
	[tilespmem:$0x14A00] =	vst v63  }
0x106: {  	_ = 	snop  }
0x107: {  	[tilespmem:s19], [sflag:$0x4] =	stream.indirect.gather [hbm4b:s2+s12], $0x20, s29, s12, $0xb8;
	[tilespmem:$0x14A00] =	vst v63  }
0x108: {  	s6 =	simm.s32 $0x880  }
0x109: {  	[tilespmem:s20], [sflag:$0x4] =	stream.indirect.gather [hbm4b:s2+s12], $0x20, s6, s12, $0xb8;
	[tilespmem:$0x14A00] =	vst v63  }
0x10a: {  	_ = 	snop  }
0x10b: {  	[tilespmem:s22], [sflag:$0x4] =	stream.indirect.gather [hbm4b:s2+s12], $0x20, s21, s12, $0xb8;
	[tilespmem:$0x14A00] =	vst v63  }
0x10c: {  	_ = 	snop  }
0x10d: {  	[tilespmem:s24], [sflag:$0x4] =	stream.indirect.gather [hbm4b:s2+s12], $0x20, s23, s12, $0xb8;
	[tilespmem:$0x14A00] =	vst v63  }
0x10e: {  	_ =	swait.ge [sflag:s25], $0x1000  }
0x10f: {  	[sflag:s25] =	ssyncset.done $0x0  }
0x110: {  	[sflag:s25] =	ssyncadd.s32 $0xFFFFF000  }
0x111: {  	_ =	swait.ge [sflag:s25], $0x1000  }
0x112: {  	[sflag:s25] =	ssyncset.done $0x0  }
0x113: {  	[sflag:s25] =	ssyncadd.s32 $0xFFFFF000  }
0x114: {  	_ =	swait.ge [sflag:s25], $0x1000  }
0x115: {  	[sflag:s25] =	ssyncset.done $0x0  }
0x116: {  	[sflag:s25] =	ssyncadd.s32 $0xFFFFF000  }
0x117: {  	_ =	swait.ge [sflag:s25], $0x1000  }
0x118: {  	[sflag:s25] =	ssyncset.done $0x0  }
0x119: {  	[sflag:s25] =	ssyncadd.s32 $0xFFFFF000  }
0x11a: {  	_ =	swait.ge [sflag:s25], $0x1000  }
0x11b: {  	[sflag:s25] =	ssyncset.done $0x0  }
0x11c: {  	s1 =	sadd.s32 $0xA000, s1;
	[sflag:s25] =	ssyncadd.s32 $0xFFFFF000  }
0x11d: {  	p0 =	sne.s32 s1, $0x64000;
	_ =	swait.ge [sflag:s25], $0x1000  }
.Ltmp0:
0x11e: {  	[sflag:s25] =	ssyncset.done $0x0;
	(pc) =	sbr.rel @p0 .LBB2_2-.Ltmp0, $4  }
0x11f: {  	[sflag:s25] =	ssyncadd.s32 $0xFFFFF000  }
0x120: {  	s8 =	sadd.s32 $0x140, s8;
	_ =	swait.ge [sflag:s25], $0x1000  }
0x121: {  	s31 =	smov.u32 s8;
	s0 =	sadd.s32 $0xA00, s0;
	[sflag:s25] =	ssyncset.done $0x0  }
0x122: {  	s5 =	simm.s32 $0x10A00;
	s4 =	simm.s32 $0x0;
	[sflag:s25] =	ssyncadd.s32 $0xFFFFF000  }
0x123: {  	_ =	swait.ge [sflag:s25], $0x1000  }
0x124: {  	[sflag:s25] =	ssyncset.done $0x0  }
0x125: {  	[sflag:s25] =	ssyncadd.s32 $0xFFFFF000  }
0x126: {  	_ =	swait.ge [sflag:s25], $0x1000  }
0x127: {  	[sflag:s25] =	ssyncset.done $0x0  }
0x128: {  	[sflag:s25] =	ssyncadd.s32 $0xFFFFF000  }
0x129: {  	_ =	swait.ge [sflag:s25], $0x1000  }
0x12a: {  	[sflag:s25] =	ssyncset.done $0x0  }
0x12b: {  	s1 =	simm.s32 @!p1 $0x500;
	s0 =	rddreg [dreg:$0x4];
	[sflag:s25] =	ssyncadd.s32 $0xFFFFF000  }
0x12c: {  	[tilespmem:s1], [sflag:$0x2] =	stream.linear.gather @!p1 [hbm4b:s31+s7], $0x500, $0x38;
	[tilespmem:$0x14A00] =	vst v63  }
0x12d: {  	s29 =	simm.s32 $0x5;
	s0 =	sadd.s32 s30, s0  }
0x12e: {  	[hbm4b:s0+s15] =	stream.strided.scatter [tilespmem:s17], [sflag:$0x6], $0xA000, s12, s15, $0x38;
	[tilespmem:$0x14A00] =	vst v63  }
0x12f: {  	_ =	swait.ge [sflag:s29], $0xA000  }
0x130: {  	[sflag:s29] =	ssyncset.done $0x0  }
0x131: {  	s30 =	simm.s32 $0x6;
	[sflag:s29] =	ssyncadd.s32 $0xFFFF6000  }
0x132: {  	_ =	swait.ge [sflag:s30], $0xA000  }
0x133: {  	s3 =	sld [smem:$0x7F6]  }
0x134: {  	s31 =	sld [smem:$0x7F9];
	_ =	sdelay $0x1  }
0x135: {  	s3 =	sadd.s32 $0x1, s3  }
0x136: {  	p0 =	sne.s32 s3, s31  }
.Ltmp1:
0x137: {  	_ = 	snop;
	(pc) =	sbr.rel @p0 .LBB2_1-.Ltmp1, $3  }
0x138: {  	_ =	sdelay $0x1  }
0x139: {  	[sflag:s30] =	ssyncset.done $0x0  }
0x13a: {  	[sflag:s30] =	ssyncadd.s32 $0xFFFF6000  }
0x13b: {  	_ =	sfence.sel $0x180000  }
0x13c: {  	[bflag:$0x0] =	sbarrier.arrive $0xFFFF  }
0x13d: {  	_ =	strace $0x90000047  }
0x13e: {  	s0 =	stileid.u32;
	[bflag:$0x2] =	sbarrier.arrive $0xFFFF  }
0x13f: {  	p0 =	sne.s32 s0, $0x0;
	s0 =	rddreg [dreg:$0x3]  }
0x140: {  	s0 =	sadd.s32 @!p0 $0x100000, s0  }
0x141: {  	[sflag:s0] =	ssyncadd.tile.s32 @!p0 $0x1;
	_ =	shalt  }
.Lfunc_end2:
_tile_overlayer_lowered:
.L_overlay_start_2:
0x142: {  	(tag) =	ssettag $0x2  }
0x143: {  	s0 =	rddreg [dreg:$0x0];
	s2 =	stileid.u32  }
0x144: {  	s1 =	rddreg [dreg:$0x1];
	p0 =	sne.s32 s2, $0x0  }
0x145: {  	s3 =	rddreg [dreg:$0x2];
	[bflag:$0x3] =	sbarrier.arrive $0xFFFF;
	s2 =	simm.s32 @!p0 $0x1C07  }
0x146: {  	[timem:s3], [sflag:s2] =	dma.local @!p0 [hbm:s0], s1  }
0x147: {  	s0 =	simm.s32 @!p0 $0x7  }
0x148: {  	_ =	swait.ge @!p0 [sflag:s0], s1  }
0x149: {  	s1 =	ssub.s32 @!p0 $0x0, s1;
	[sflag:s0] =	ssyncset.done @!p0 $0x0  }
0x14a: {  	[sflag:s0] =	ssyncadd.s32 @!p0 s1  }
0x14b: {  	[bflag:$0x3] =	sbarrier.arrive $0xFFFF  }
0x14c: {  	_ =	shalt  }

// kernel: sparse-core-data-format-call.cloned.1.call-start
scs
called_computation_lowered:
.L_overlay_start_0:
0x0: {  	s2 =	sld [smem:$0x3FD9]  }
0x1: {  	s3 =	sld [smem:$0x3FFE];
	_ =	sdelay $0x1  }
0x2: {  	s1 =	srdreg.scid  }
0x3: {  	s0 =	sand.u32 $0x1, s1  }
0x4: {  	s18 =	sshll.u32 s0, $0xA;
	s2 =	sadd.s32 s3, s2  }
0x5: {  	s2 =	sadd.s32 s2, s18  }
0x6: {  	[smem:$0x3FC6] =	sst s2  }
0x7: {  	_ = 	snop  }
0x8: {  	s2 =	sld [smem:$0x3FD0];
	(tm) =	ssettm $0x1  }
0x9: {  	s19 =	sld [smem:$0x3FFB];
	_ =	sdelay $0x3  }
0xa: {  	_ =	strace s19  }
0xb: {  	s3 =	sld [smem:$0x3FFC];
	_ =	sdelay $0x3  }
0xc: {  	_ =	strace s3  }
0xd: {  	s3 =	sld [smem:$0x3FFD];
	_ =	sdelay $0x3  }
0xe: {  	_ =	strace s3  }
0xf: {  	_ =	strace $0x8FFFFFFF  }
0x10: {  	s20 =	sld [smem:$0x3FDB];
	_ =	sdelay $0x1  }
0x11: {  	s4 =	simm.s32 $_scs_section_size  }
0x12: {  	s5 =	simm.s32 $_size__tile_overlayer_lowered;
	s6 =	simm.s32 $_tile_overlayer_lowered  }
0x13: {  	s23 =	simm.s32 $0x1BFF;
	s22 =	sshll.u32 s6, $0x1;
	s3 =	sadd.s32 s4, s20  }
0x14: {  	s7 =	simm.s32 $0x0;
	s21 =	sshll.u32 s5, $0x1;
	s5 =	sadd.s32 s22, s3  }
0x15: {  	[timem:s7], [sflag:s23] =	dma.local [hbm:s5], s21  }
0x16: {  	_ =	swait.ge [sflag:s23], s21  }
0x17: {  	s4 =	ssub.s32 $0x0, s21;
	[sflag:s23] =	ssyncset.done $0x0  }
0x18: {  	[sflag:s23] =	ssyncadd.s32 s4;
	_ =	sdelay $0x1  }
0x19: {  	s24 =	simm.s32 $0x1B8B  }
0x1a: {  	_ =	swait.ge [sflag:s24], $0x1  }
0x1b: {  	[sflag:s24] =	ssyncset.done $0x0  }
0x1c: {  	s26 =	simm.s32 $0x1B8E;
	s25 =	sld [smem:$0x3FFE];
	[sflag:s24] =	ssyncadd.s32 $0xFFFFFFFF  }
0x1d: {  	s27 =	simm.s32 $execute0_lowered;
	[smem:$0x3FD2] =	sst s26  }
0x1e: {  	s5 =	sshll.u32 s27, $0x1;
	_ =	strace $0x80000049;
	[dreg:$0x1] =	wrdreg $0xFFFFFFFF  }
0x1f: {  	s28 =	simm.s32 $_size_execute0_lowered;
	s3 =	sadd.s32 s3, s5;
	[dreg:$0x0] =	wrdreg $0x0  }
0x20: {  	s5 =	sshll.u32 s28, $0x1;
	[dreg:$0x2] =	wrdreg s3  }
0x21: {  	[dreg:$0x3] =	wrdreg s5  }
0x22: {  	[dreg:$0x4] =	wrdreg $0xC0  }
0x23: {  	_ =	task [dreg:s7], $0x5FFFF  }
0x24: {  	[dreg:$0x1] =	wrdreg $0xFFFFFFFF  }
0x25: {  	[dreg:$0x0] =	wrdreg $0x60  }
0x26: {  	[dreg:$0x2] =	wrdreg s25  }
0x27: {  	[dreg:$0x3] =	wrdreg s2  }
0x28: {  	[dreg:$0x4] =	wrdreg $0x9  }
0x29: {  	_ =	task.clear_ibuf [dreg:s7], $0x5FFFF;
	_ =	strace $0x90000049  }
0x2a: {  	s29 =	simm.s32 $0x9;
	_ =	strace $0x8000004B  }
0x2b: {  	_ =	swait.ge [sflag:s29], $0x1  }
0x2c: {  	[sflag:s29] =	ssyncadd.s32 $0xFFFFFFFF  }
0x2d: {  	_ =	strace $0x9000004B  }
0x2e: {  	_ =	sfence  }
0x2f: {  	s30 =	sld [smem:$0x0];
	_ =	sdelay $0x2  }
0x30: {  	s31 =	sshll.u32 s1, $0xD;
	s1 =	sshrl.u32 s1, $0x2  }
0x31: {  	s3 =	sand.u32 $0x4000, s31;
	s1 =	sadd.s32 s1, s30  }
0x32: {  	s0 =	sor.u32 s3, s0;
	s1 =	sshll.u32 s1, $0x11  }
0x33: {  	s0 =	sor.u32 s1, s0  }
0x34: {  	s0 =	sadd.s32 $0x8F2B, s0  }
0x35: {  	[sflag:s0] =	ssyncadd.remote.s32 $0x1  }
0x36: {  	_ =	sfence.sel $0xFFFF  }
0x37: {  	[dreg:$0x0] =	wrdreg $0xFFFFFFFF;
	(pc) =	sbr.abs _section_cstart, $3  }
0x38: {  	[dreg:$0x1] =	wrdreg $0xFFFFFFFF  }
0x39: {  	_ =	task.clear_ibuf [dreg:s7], $0x2FFFF;
	_ =	strace $0x9FFFFFFF  }
0x3a: {  	(tm) =	ssettm $0x7FFFFFFF  }
0x3b: {  	_ =	shalt  }
tec
execute0_lowered:
.L_overlay_start_1:
0x0: {  	(tag) =	ssettag $0x1  }
0x1: {  	s0 =	srdreg.scid  }
0x2: {  	s1 =	sshll.u32 s0, $0x4  }
0x3: {  	s4 =	rddreg [dreg:$0x0];
	s0 =	stileid.u32;
	s1 =	sand.u32 $0x10, s1  }
0x4: {  	s2 =	rddreg [dreg:$0x1];
	s7 =	simm.s32 $0x1;
	s1 =	sor.u32 s0, s1  }
0x5: {  	s8 =	simm.s32 $0x2;
	s11 =	simm.s32 $0x0;
	s3 =	sshll.u32 s1, $0x7  }
0x6: {  	s10 =	simm.s32 $0x0;
	s4 =	sadd.s32 $0xA00, s4;
	s6 =	ssub.s32 $0xC8000, s3  }
.Ltmp0:
0x7: {  	s1 =	rddreg [dreg:$0x2];
	s5 =	sand.u32 $0xF80, s6;
	(pc) =	sbr.rel .LBB1_1-.Ltmp0, $4  }
0x8: {  	_ =	strace $0x8000004A;
	s9 =	smov.u32 s3;
	p0 =	sne.s32 s5, $0x0  }
0x9: {  	s6 =	sshrl.u32 s6, $0xC;
	s5 =	simm.s32 $0x1;
	s7 =	simm.s32 @!p0 $0x0  }
0xa: {  	[sflag:s5] =	ssyncpa.u1 $0x0;
	p0 =	por $0x0, $0x0;
	s6 =	sadd.s32 s7, s6  }
0xb: {  	[sflag:s8] =	ssyncpa.u1 $0x0;
	s8 =	simm.s32 $0x640000;
	s7 =	sadd.s32 $0x1, s6  }
.LBB1_4:
0xc: {  	s14 =	sshll.u32 s11, $0x3  }
0xd: {  	s30 =	sand.u32 $0x7F, s11;
	s15 =	sand.u32 $0xFFFFFC00, s14  }
0xe: {  	s11 =	sor.u32 s30, s15  }
0xf: {  	s15 =	smulhi.u32 $0x51EB851F, s11  }
0x10: {  	s14 =	smulhi.u32 $0x51EB851F, s14  }
0x11: {  	s15 =	sshrl.u32 s15, $0x12  }
0x12: {  	s14 =	sshrl.u32 s14, $0x12;
	s15 =	smul.u32 $0xC8000, s15  }
0x13: {  	s14 =	sand.u32 $0x1F, s14  }
0x14: {  	s14 =	smul.u32 $0x19000, s14;
	s11 =	ssub.s32 s11, s15  }
0x15: {  	s15 =	sand.u32 $0x7, s11  }
0x16: {  	s14 =	sadd.s32 s2, s14;
	s11 =	sshrl.u32 s11, $0x3;
	s15 =	sshll.u32 s15, $0x12  }
0x17: {  	[tilespmem:s13+$0x0 ss:$0x81] =	vst.msk $0xffff, v0;
	s11 =	sadd.s32 s11, s14;
	s31 =	sor.u32 $0x400, s15  }
0x18: {  	[hbm4b:s11+s31] =	stream.strided.scatter [tilespmem:s12], [sflag:$0x2], $0x1000, s8, s31, $0x20;
	[tilespmem:$0x4040] =	vst v63  }
.LBB1_5:
0x19: {  	s13 =	sadd.s32 $0x1000, s9  }
0x1a: {  	p2 =	sgt.s32 s13, $0xC7FFF  }
0x1b: {  	s13 =	smov.u32 @p2 s3;
	p2 =	sne.s32 s10, s7  }
.Ltmp1:
0x1c: {  	p1 =	slt.u32 s10, $0x2;
	(pc) =	sbr.rel @!p2 .LBB1_6-.Ltmp1, $4  }
0x1d: {  	s12 =	simm.s32 @!p1 $0x2  }
0x1e: {  	s14 =	sadd.s32 $0x1, s10;
	_ =	swait.ge @!p1 [sflag:s12], $0x1000  }
0x1f: {  	s11 =	smov.u32 s9;
	p0 =	por !p0, !p0;
	[sflag:s12] =	ssyncset.done @!p1 $0x0  }
0x20: {  	s10 =	smov.u32 s14;
	s9 =	smov.u32 s13;
	[sflag:s12] =	ssyncadd.s32 @!p1 $0xFFFFF000  }
.LBB1_1:
0x21: {  	p1 =	sge.u32 s10, s6  }
0x22: {  	s12 =	sand.u32 @!p1 $0x1FFFFFF, s9  }
0x23: {  	s13 =	smulhi.u32 @!p1 $0x147AE15, s12;
	_ =	sdelay $0x1  }
0x24: {  	s13 =	sshrl.u32 @!p1 s13, $0xC  }
0x25: {  	s13 =	smul.u32 @!p1 $0xC8000, s13;
	_ =	sdelay $0x1  }
0x26: {  	s31 =	sadd.s32 $0xFFFFFFFF, s10;
	s14 =	sxor.u32 @!p1 $0xFFFFFFFF, s10;
	s12 =	ssub.s32 @!p1 s12, s13  }
0x27: {  	s15 =	simm.s32 @!p1 $0x80;
	s14 =	sshll.u32 @!p1 s14, $0xC;
	s12 =	sshll.u32 @!p1 s12, $0x4  }
0x28: {  	s13 =	sand.u32 @!p1 $0x1000, s14;
	s14 =	simm.s32 @!p1 $0x20;
	s12 =	sadd.s32 @!p1 s4, s12  }
0x29: {  	[tilespmem:s13], [sflag:$0x1] =	stream.strided.gather @!p1 [hbm4b:s12+s14], $0x1000, s15, s14, $0x38;
	[tilespmem:$0x4040] =	vst v63  }
0x2a: {  	p1 =	sge.u32 s31, s6  }
.Ltmp2:
0x2b: {  	_ = 	snop;
	(pc) =	sbr.rel @p1 .LBB1_5-.Ltmp2, $1  }
0x2c: {  	_ =	sdelay $0x3  }
0x2d: {  	s12 =	simm.s32 $0x1  }
0x2e: {  	_ =	swait.ge [sflag:s5], $0x1000;
	s12 =	simm.s32 @!p0 $0x0  }
0x2f: {  	[sflag:s5] =	ssyncset.done $0x0;
	s13 =	sshll.u32 s12, $0xC  }
0x30: {  	[sflag:s5] =	ssyncadd.s32 $0xFFFFF000;
	s16 =	sor.u32 $0x10, s13  }
0x31: {  	s12 =	smul.u32 $0x4080, s12;
	v1 =	vld [tilespmem:s16+$0x0]  }
0x32: {  	s30 =	sand.u32 $0x1, s10;
	v0 =	vld [tilespmem:s16+$0xFFFFFFF0]  }
0x33: {  	s13 =	smul.u32 $0x4080, s30;
	s12 =	sshrl.u32 s12, $0x2  }
0x34: {  	s14 =	sor.u32 $0x2000, s12  }
0x35: {  	s31 =	sshrl.u32 s13, $0x2;
	s13 =	sadd.s32 $0x0, s14  }
0x36: {  	s15 =	simm.s32 $0x4;
	s16 =	sadd.s32 $0x20, s16;
	s12 =	sor.u32 $0x2000, s31;
	[tilespmem:s13+$0x810 ss:$0x81] =	vst.msk $0xffff, v1  }
.LBB1_3:
0x37: {  	v1 =	vld [tilespmem:s16+$0x0];
	p1 =	sne.s32 s15, $0x1FC;
	[tilespmem:s13+$0x0 ss:$0x81] =	vst.msk $0xffff, v0;
	s13 =	smov.u32 s15;
	s15 =	sadd.s32 $0x4, s15  }
.Ltmp3:
0x38: {  	v0 =	vld [tilespmem:s16+$0xFFFFFFF0];
	(pc) =	sbr.rel @p1 .LBB1_3-.Ltmp3, $4  }
0x39: {  	_ = 	snop  }
0x3a: {  	s13 =	sshra.s32 s13, $0x2  }
0x3b: {  	s13 =	sadd.s32 s13, s14  }
0x3c: {  	s16 =	sadd.s32 $0x20, s16;
	[tilespmem:s13+$0x810 ss:$0x81] =	vst.msk $0xffff, v1  }
.Ltmp4:
0x3d: {  	_ = 	snop;
	(pc) =	sbr.rel .LBB1_4-.Ltmp4, $1  }
0x3e: {  	_ =	sdelay $0x3  }
.LBB1_6:
0x3f: {  	_ =	sfence.sel $0x180000  }
0x40: {  	s2 =	simm.s32 $0x1;
	[bflag:$0x0] =	sbarrier.arrive $0xFFFF  }
0x41: {  	s31 =	simm.s32 $0x2;
	[sflag:s2] =	ssyncpa.u1 $0x1  }
0x42: {  	[sflag:s31] =	ssyncpa.u1 $0x1  }
0x43: {  	p0 =	sne.s32 s0, $0x0;
	_ =	strace $0x9000004A  }
0x44: {  	s0 =	sadd.s32 @!p0 $0x100000, s1;
	[bflag:$0x2] =	sbarrier.arrive $0xFFFF  }
0x45: {  	[sflag:s0] =	ssyncadd.tile.s32 @!p0 $0x1;
	_ =	shalt  }
.Lfunc_end1:
_tile_overlayer_lowered:
.L_overlay_start_2:
0x46: {  	(tag) =	ssettag $0x2  }
0x47: {  	s0 =	rddreg [dreg:$0x0];
	s2 =	stileid.u32  }
0x48: {  	s1 =	rddreg [dreg:$0x1];
	p0 =	sne.s32 s2, $0x0  }
0x49: {  	s3 =	rddreg [dreg:$0x2];
	[bflag:$0x3] =	sbarrier.arrive $0xFFFF;
	s2 =	simm.s32 @!p0 $0x1C01  }
0x4a: {  	[timem:s3], [sflag:s2] =	dma.local @!p0 [hbm:s0], s1  }
0x4b: {  	s0 =	simm.s32 @!p0 $0x1  }
0x4c: {  	_ =	swait.ge @!p0 [sflag:s0], s1  }
0x4d: {  	s1 =	ssub.s32 @!p0 $0x0, s1;
	[sflag:s0] =	ssyncset.done @!p0 $0x0  }
0x4e: {  	[sflag:s0] =	ssyncadd.s32 @!p0 s1  }
0x4f: {  	[bflag:$0x3] =	sbarrier.arrive $0xFFFF  }
0x50: {  	_ =	shalt  }

</sc_bundles>
